<compile_context>
chip_gen: v7x
topology: tpu7x:2x2x1
jax: 0.10.2.dev20260603
libtpu: 0.0.44.dev20260713+nightly
codegen_flags: <defaults>
</compile_context>

<pallas_src>
import functools

import jax
import jax.numpy as jnp
from jax import lax
from jax.experimental import pallas as pl
from jax.experimental.pallas import tpu as pltpu
from jax.experimental.pallas import tpu_sc as plsc

NC, NS, LANES = 2, 16, 16
NW = NC * NS
CH = 32
SC_ROWS = 1024
TC_BS = 1024


def _tc_body(in_ref, pos_ref, out_ref, *, nsb):
    i = pl.program_id(0)
    off = (i % nsb) * TC_BS
    out_ref[0] = in_ref[0] + pos_ref[pl.ds(off, TC_BS), :]


def _tc_add(inputs, pos_table, n_blocks):
    B, S, D = inputs.shape
    nsb = S // TC_BS
    return pl.pallas_call(
        functools.partial(_tc_body, nsb=nsb),
        grid=(n_blocks,),
        in_specs=[
            pl.BlockSpec((1, TC_BS, D), lambda i, nsb=nsb: (i // nsb, i % nsb, 0)),
            pl.BlockSpec((S, D), lambda i: (0, 0)),
        ],
        out_specs=pl.BlockSpec((1, TC_BS, D), lambda i, nsb=nsb: (i // nsb, i % nsb, 0)),
        out_shape=jax.ShapeDtypeStruct((B, S, D), jnp.float32),
        compiler_params=pltpu.CompilerParams(
            dimension_semantics=("arbitrary",),
        ),
    )(inputs, pos_table)


def _sc_add(B, S, D, batch, seq0, sc_rows):
    rows_per_w = sc_rows // NW
    nch = rows_per_w // CH

    mesh = plsc.VectorSubcoreMesh(core_axis_name="c", subcore_axis_name="s")

    @functools.partial(
        pl.kernel,
        out_type=jax.ShapeDtypeStruct((sc_rows, D), jnp.float32),
        mesh=mesh,
        scratch_types=[
            pltpu.VMEM((2, CH, D), jnp.float32),
            pltpu.VMEM((2, CH, D), jnp.float32),
            pltpu.SemaphoreType.DMA,
            pltpu.SemaphoreType.DMA,
        ],
    )
    def sc_kernel(in_hbm, pos_hbm, out_hbm, ibuf, pbuf, lsem, ssem):
        wid = lax.axis_index("s") * NC + lax.axis_index("c")
        row = seq0 + wid * rows_per_w
        out_row = wid * rows_per_w

        def load(c):
            slot = c % 2
            return (
                pltpu.async_copy(
                    in_hbm.at[batch].at[pl.ds(row + c * CH, CH)], ibuf.at[slot], lsem
                ),
                pltpu.async_copy(
                    pos_hbm.at[pl.ds(row + c * CH, CH)], pbuf.at[slot], lsem
                ),
            )

        loads = load(0)
        stores = [None, None]
        for c in range(nch):
            slot = c % 2
            other = (c + 1) % 2
            if c + 1 < nch and stores[other] is not None:
                stores[other].wait()
                stores[other] = None
            next_loads = load(c + 1) if c + 1 < nch else None
            for dsc in loads:
                dsc.wait()

            for r in range(CH):

                @plsc.parallel_loop(0, D, LANES, unroll=8)
                def _(i):
                    plsc.addupdate(
                        ibuf.at[slot].at[r].at[pl.ds(i, LANES)],
                        pbuf[slot, r, pl.ds(i, LANES)],
                    )

            stores[slot] = pltpu.async_copy(
                ibuf.at[slot], out_hbm.at[pl.ds(out_row + c * CH, CH)], ssem
            )
            loads = next_loads
        for dsc in stores:
            if dsc is not None:
                dsc.wait()

    return sc_kernel


def kernel(inputs, pos_table):
    B, S, D = inputs.shape
    inputs = inputs.astype(jnp.float32)
    n_blocks = (B * S - SC_ROWS) // TC_BS

    tc_out = _tc_add(inputs, pos_table, n_blocks)
    sc_out = _sc_add(B, S, D, B - 1, S - SC_ROWS, SC_ROWS)(inputs, pos_table)
    out = lax.dynamic_update_slice(
        tc_out, sc_out.reshape(1, SC_ROWS, D), (B - 1, S - SC_ROWS, 0)
    )
    return out

# --- scband reference (transcript-rebuilt; emitter-appended) ---
"""Pipeline reference for scband-token-and-position-embedding-42262478192868 (READ-ONLY COPY).

The authoritative reference and input builder live on the scoring server;
editing this copy changes nothing except your own understanding.
"""

import jax, jax.numpy as jnp
import numpy as np

MAX_LEN = 2048
EMBED_DIM = 768
BATCH = 4
SEQ_LEN = 2048

def setup_inputs(seed: int = 0) -> dict:
    key = jax.random.key(seed)
    k1, k2 = jax.random.split(key)
    inputs = jax.random.normal(k1, (BATCH, SEQ_LEN, EMBED_DIM), dtype=jnp.float32)
    # learned position embedding table, per init_kwargs (max_len, embed_dim)
    pos_table = jax.random.normal(k2, (MAX_LEN, EMBED_DIM), dtype=jnp.float32) * 0.02
    return {"inputs": inputs, "pos_table": pos_table}

def reference(inputs, pos_table):
    # inputs = tf.cast(inputs, tf.float32)
    inputs = inputs.astype(jnp.float32)
    # max_len = tf.shape(inputs)[1]; positions = tf.range(0, max_len)
    seq_len = inputs.shape[1]
    positions = jnp.arange(0, seq_len, dtype=jnp.int32)
    # position_embeddings = Embedding(max_len, embed_dim)(positions) -> gather rows
    position_embeddings = jnp.take(pos_table, positions, axis=0)
    # broadcast add over batch dim
    return inputs + position_embeddings

if __name__ == "__main__":
    import jax
    _d = setup_inputs()
    print(jax.jit(kernel)(*tuple(_d.values())))

</pallas_src>

<mosaic_0001>
#map = affine_map<(d0, d1) -> (0, 0, 0)>
#map1 = affine_map<(d0, d1) -> (0, 0)>
module attributes {stable_mosaic.version = 14 : i64} {
  func.func @sc_kernel(%arg0: i32, %arg1: i32, %arg2: memref<4x2048x768xf32, #tpu.memory_space<hbm>>, %arg3: memref<2048x768xf32, #tpu.memory_space<hbm>>, %arg4: memref<1024x768xf32, #tpu.memory_space<hbm>>, %arg5: memref<2x32x768xf32, #tpu.memory_space<vmem>>, %arg6: memref<2x32x768xf32, #tpu.memory_space<vmem>>, %arg7: memref<!tpu.dma_semaphore, #tpu.memory_space<semaphore_mem>>, %arg8: memref<!tpu.dma_semaphore, #tpu.memory_space<semaphore_mem>>) attributes {dimension_semantics = [#tpu.dimension_semantics<core_parallel>, #tpu.dimension_semantics<subcore_parallel>], iteration_bounds = array<i64: 2, 16>, scalar_prefetch = 0 : i64, scratch_operands = 4 : i64, tpu.core_type = #tpu.core_type<sc_vector_subcore>, window_params = [{transform_indices = #map}, {transform_indices = #map1}, {transform_indices = #map1}]} {
    %mul3A = arith.constant 2 : i32
    %mul3A_0 = arith.muli %arg1, %mul3A : i32
    %add3A = arith.addi %mul3A_0, %arg0 : i32
    %mul3A_1 = arith.constant 32 : i32
    %mul3A_2 = arith.muli %add3A, %mul3A_1 : i32
    %add3A_3 = arith.constant 1024 : i32
    %add3A_4 = arith.addi %add3A_3, %mul3A_2 : i32
    %mul3A_5 = arith.constant 32 : i32
    %mul3A_6 = arith.muli %add3A, %mul3A_5 : i32
    %add3A_7 = arith.constant 0 : i32
    %add3A_8 = arith.addi %add3A_4, %add3A_7 : i32
    %dma_start3A = arith.constant 3 : i32
    %dma_start3A_9 = arith.constant 0 : i32
    %dma_start3A_10 = arith.constant 0 : i32
    %dma_start3A_11 = arith.constant 0 : i32
    %dma_start3A_12 = tpu.memref_slice %arg5[%dma_start3A_9, %dma_start3A_10, %dma_start3A_11] : memref<2x32x768xf32, #tpu.memory_space<vmem>> -> memref<1x32x768xf32, #tpu.memory_space<vmem>>
    %dma_start3A_13 = tpu.memref_squeeze %dma_start3A_12 : memref<1x32x768xf32, #tpu.memory_space<vmem>> -> memref<32x768xf32, #tpu.memory_space<vmem>>
    %dma_start3A_14 = arith.constant 0 : i32
    %dma_start3A_15 = arith.constant 0 : i32
    %dma_start3A_16 = tpu.memref_slice %arg2[%dma_start3A, %dma_start3A_14, %dma_start3A_15] : memref<4x2048x768xf32, #tpu.memory_space<hbm>> -> memref<1x2048x768xf32, #tpu.memory_space<hbm>>
    %dma_start3A_17 = tpu.memref_squeeze %dma_start3A_16 : memref<1x2048x768xf32, #tpu.memory_space<hbm>> -> memref<2048x768xf32, #tpu.memory_space<hbm>>
    %dma_start3A_18 = arith.constant 0 : i32
    %dma_start3A_19 = tpu.memref_slice %dma_start3A_17[%add3A_8, %dma_start3A_18] : memref<2048x768xf32, #tpu.memory_space<hbm>> -> memref<32x768xf32, #tpu.memory_space<hbm>>
    %dma_start3A_20 = arith.constant 0 : i32
    %dma_start3A_21 = arith.constant 0 : i32
    %dma_start3A_22 = tpu.memref_slice %arg5[%dma_start3A_9, %dma_start3A_20, %dma_start3A_21] : memref<2x32x768xf32, #tpu.memory_space<vmem>> -> memref<1x32x768xf32, #tpu.memory_space<vmem>>
    %dma_start3A_23 = tpu.memref_squeeze %dma_start3A_22 : memref<1x32x768xf32, #tpu.memory_space<vmem>> -> memref<32x768xf32, #tpu.memory_space<vmem>>
    %dma_start3A_24 = arith.constant 0 : i32
    %dma_start3A_25 = arith.constant 0 : i32
    %dma_start3A_26 = tpu.memref_slice %arg2[%dma_start3A, %dma_start3A_24, %dma_start3A_25] : memref<4x2048x768xf32, #tpu.memory_space<hbm>> -> memref<1x2048x768xf32, #tpu.memory_space<hbm>>
    %dma_start3A_27 = tpu.memref_squeeze %dma_start3A_26 : memref<1x2048x768xf32, #tpu.memory_space<hbm>> -> memref<2048x768xf32, #tpu.memory_space<hbm>>
    %dma_start3A_28 = arith.constant 0 : i32
    %dma_start3A_29 = tpu.memref_slice %dma_start3A_27[%add3A_8, %dma_start3A_28] : memref<2048x768xf32, #tpu.memory_space<hbm>> -> memref<32x768xf32, #tpu.memory_space<hbm>>
    tpu.enqueue_dma source(%dma_start3A_29 : memref<32x768xf32, #tpu.memory_space<hbm>>) target(%dma_start3A_23 : memref<32x768xf32, #tpu.memory_space<vmem>>) target_semaphore(%arg7 : memref<!tpu.dma_semaphore, #tpu.memory_space<semaphore_mem>>)
    %add3A_30 = arith.constant 0 : i32
    %add3A_31 = arith.addi %add3A_4, %add3A_30 : i32
    %dma_start3A_32 = arith.constant 0 : i32
    %dma_start3A_33 = arith.constant 0 : i32
    %dma_start3A_34 = arith.constant 0 : i32
    %dma_start3A_35 = tpu.memref_slice %arg6[%dma_start3A_32, %dma_start3A_33, %dma_start3A_34] : memref<2x32x768xf32, #tpu.memory_space<vmem>> -> memref<1x32x768xf32, #tpu.memory_space<vmem>>
    %dma_start3A_36 = tpu.memref_squeeze %dma_start3A_35 : memref<1x32x768xf32, #tpu.memory_space<vmem>> -> memref<32x768xf32, #tpu.memory_space<vmem>>
    %dma_start3A_37 = arith.constant 0 : i32
    %dma_start3A_38 = tpu.memref_slice %arg3[%add3A_31, %dma_start3A_37] : memref<2048x768xf32, #tpu.memory_space<hbm>> -> memref<32x768xf32, #tpu.memory_space<hbm>>
    %dma_start3A_39 = arith.constant 0 : i32
    %dma_start3A_40 = arith.constant 0 : i32
    %dma_start3A_41 = tpu.memref_slice %arg6[%dma_start3A_32, %dma_start3A_39, %dma_start3A_40] : memref<2x32x768xf32, #tpu.memory_space<vmem>> -> memref<1x32x768xf32, #tpu.memory_space<vmem>>
    %dma_start3A_42 = tpu.memref_squeeze %dma_start3A_41 : memref<1x32x768xf32, #tpu.memory_space<vmem>> -> memref<32x768xf32, #tpu.memory_space<vmem>>
    %dma_start3A_43 = arith.constant 0 : i32
    %dma_start3A_44 = tpu.memref_slice %arg3[%add3A_31, %dma_start3A_43] : memref<2048x768xf32, #tpu.memory_space<hbm>> -> memref<32x768xf32, #tpu.memory_space<hbm>>
    tpu.enqueue_dma source(%dma_start3A_44 : memref<32x768xf32, #tpu.memory_space<hbm>>) target(%dma_start3A_42 : memref<32x768xf32, #tpu.memory_space<vmem>>) target_semaphore(%arg7 : memref<!tpu.dma_semaphore, #tpu.memory_space<semaphore_mem>>)
    %dma_wait3A = arith.constant 3 : i32
    %dma_wait3A_45 = arith.constant 0 : i32
    %dma_wait3A_46 = arith.constant 0 : i32
    %dma_wait3A_47 = arith.constant 0 : i32
    %dma_wait3A_48 = tpu.memref_slice %arg5[%dma_wait3A_45, %dma_wait3A_46, %dma_wait3A_47] : memref<2x32x768xf32, #tpu.memory_space<vmem>> -> memref<1x32x768xf32, #tpu.memory_space<vmem>>
    %dma_wait3A_49 = tpu.memref_squeeze %dma_wait3A_48 : memref<1x32x768xf32, #tpu.memory_space<vmem>> -> memref<32x768xf32, #tpu.memory_space<vmem>>
    %dma_wait3A_50 = arith.constant 0 : i32
    %dma_wait3A_51 = arith.constant 0 : i32
    %dma_wait3A_52 = tpu.memref_slice %arg2[%dma_wait3A, %dma_wait3A_50, %dma_wait3A_51] : memref<4x2048x768xf32, #tpu.memory_space<hbm>> -> memref<1x2048x768xf32, #tpu.memory_space<hbm>>
    %dma_wait3A_53 = tpu.memref_squeeze %dma_wait3A_52 : memref<1x2048x768xf32, #tpu.memory_space<hbm>> -> memref<2048x768xf32, #tpu.memory_space<hbm>>
    %dma_wait3A_54 = arith.constant 0 : i32
    %dma_wait3A_55 = tpu.memref_slice %dma_wait3A_53[%add3A_8, %dma_wait3A_54] : memref<2048x768xf32, #tpu.memory_space<hbm>> -> memref<32x768xf32, #tpu.memory_space<hbm>>
    %dma_wait3A_56 = arith.constant 0 : i32
    %dma_wait3A_57 = arith.constant 0 : i32
    %dma_wait3A_58 = tpu.memref_slice %arg5[%dma_wait3A_45, %dma_wait3A_56, %dma_wait3A_57] : memref<2x32x768xf32, #tpu.memory_space<vmem>> -> memref<1x32x768xf32, #tpu.memory_space<vmem>>
    %dma_wait3A_59 = tpu.memref_squeeze %dma_wait3A_58 : memref<1x32x768xf32, #tpu.memory_space<vmem>> -> memref<32x768xf32, #tpu.memory_space<vmem>>
    %dma_wait3A_60 = arith.constant 0 : i32
    %dma_wait3A_61 = arith.constant 0 : i32
    %dma_wait3A_62 = tpu.memref_slice %arg2[%dma_wait3A, %dma_wait3A_60, %dma_wait3A_61] : memref<4x2048x768xf32, #tpu.memory_space<hbm>> -> memref<1x2048x768xf32, #tpu.memory_space<hbm>>
    %dma_wait3A_63 = tpu.memref_squeeze %dma_wait3A_62 : memref<1x2048x768xf32, #tpu.memory_space<hbm>> -> memref<2048x768xf32, #tpu.memory_space<hbm>>
    %dma_wait3A_64 = arith.constant 0 : i32
    %dma_wait3A_65 = tpu.memref_slice %dma_wait3A_63[%add3A_8, %dma_wait3A_64] : memref<2048x768xf32, #tpu.memory_space<hbm>> -> memref<32x768xf32, #tpu.memory_space<hbm>>
    tpu.wait_dma2 semaphore(%arg7 : memref<!tpu.dma_semaphore, #tpu.memory_space<semaphore_mem>>) src(%dma_wait3A_65 : memref<32x768xf32, #tpu.memory_space<hbm>>) dst(%dma_wait3A_59 : memref<32x768xf32, #tpu.memory_space<vmem>>)
    %dma_wait3A_66 = arith.constant 0 : i32
    %dma_wait3A_67 = arith.constant 0 : i32
    %dma_wait3A_68 = arith.constant 0 : i32
    %dma_wait3A_69 = tpu.memref_slice %arg6[%dma_wait3A_66, %dma_wait3A_67, %dma_wait3A_68] : memref<2x32x768xf32, #tpu.memory_space<vmem>> -> memref<1x32x768xf32, #tpu.memory_space<vmem>>
    %dma_wait3A_70 = tpu.memref_squeeze %dma_wait3A_69 : memref<1x32x768xf32, #tpu.memory_space<vmem>> -> memref<32x768xf32, #tpu.memory_space<vmem>>
    %dma_wait3A_71 = arith.constant 0 : i32
    %dma_wait3A_72 = tpu.memref_slice %arg3[%add3A_31, %dma_wait3A_71] : memref<2048x768xf32, #tpu.memory_space<hbm>> -> memref<32x768xf32, #tpu.memory_space<hbm>>
    %dma_wait3A_73 = arith.constant 0 : i32
    %dma_wait3A_74 = arith.constant 0 : i32
    %dma_wait3A_75 = tpu.memref_slice %arg6[%dma_wait3A_66, %dma_wait3A_73, %dma_wait3A_74] : memref<2x32x768xf32, #tpu.memory_space<vmem>> -> memref<1x32x768xf32, #tpu.memory_space<vmem>>
    %dma_wait3A_76 = tpu.memref_squeeze %dma_wait3A_75 : memref<1x32x768xf32, #tpu.memory_space<vmem>> -> memref<32x768xf32, #tpu.memory_space<vmem>>
    %dma_wait3A_77 = arith.constant 0 : i32
    %dma_wait3A_78 = tpu.memref_slice %arg3[%add3A_31, %dma_wait3A_77] : memref<2048x768xf32, #tpu.memory_space<hbm>> -> memref<32x768xf32, #tpu.memory_space<hbm>>
    tpu.wait_dma2 semaphore(%arg7 : memref<!tpu.dma_semaphore, #tpu.memory_space<semaphore_mem>>) src(%dma_wait3A_78 : memref<32x768xf32, #tpu.memory_space<hbm>>) dst(%dma_wait3A_76 : memref<32x768xf32, #tpu.memory_space<vmem>>)
    %parallel_loop3A = arith.constant 0 : i32
    %parallel_loop3A_79 = arith.constant 768 : i32
    %parallel_loop3A_80 = arith.constant 16 : i32
    scf.for %parallel_loop3A_202 = %parallel_loop3A to %parallel_loop3A_79 step %parallel_loop3A_80  : i32 {
      %parallel_loop3A_203 = arith.constant 0 : i32
      %parallel_loop3A_204 = arith.constant 0 : i32
      %parallel_loop3A_205 = arith.index_cast %parallel_loop3A_203 : i32 to index
      %parallel_loop3A_206 = arith.index_cast %parallel_loop3A_204 : i32 to index
      %parallel_loop3A_207 = arith.index_cast %parallel_loop3A_202 : i32 to index
      %parallel_loop3A_208 = tpu.vector_load %arg6[%parallel_loop3A_205, %parallel_loop3A_206, %parallel_loop3A_207] {strides = array<i32>} : memref<2x32x768xf32, #tpu.memory_space<vmem>>, vector<1x1x16xf32>,
      %parallel_loop3A_209 = vector.shape_cast %parallel_loop3A_208 : vector<1x1x16xf32> to vector<16xf32>
      %parallel_loop3A_210 = arith.constant 0 : i32
      %parallel_loop3A_211 = arith.constant 0 : i32
      %parallel_loop3A_212 = arith.constant 0 : i32
      %parallel_loop3A_213 = arith.constant 0 : i32
      %parallel_loop3A_214 = tpu.memref_slice %arg5[%parallel_loop3A_210, %parallel_loop3A_212, %parallel_loop3A_213] : memref<2x32x768xf32, #tpu.memory_space<vmem>> -> memref<1x32x768xf32, #tpu.memory_space<vmem>>
      %parallel_loop3A_215 = tpu.memref_squeeze %parallel_loop3A_214 : memref<1x32x768xf32, #tpu.memory_space<vmem>> -> memref<32x768xf32, #tpu.memory_space<vmem>>
      %parallel_loop3A_216 = arith.constant 0 : i32
      %parallel_loop3A_217 = tpu.memref_slice %parallel_loop3A_215[%parallel_loop3A_211, %parallel_loop3A_216] : memref<32x768xf32, #tpu.memory_space<vmem>> -> memref<1x768xf32, #tpu.memory_space<vmem>>
      %parallel_loop3A_218 = tpu.memref_squeeze %parallel_loop3A_217 : memref<1x768xf32, #tpu.memory_space<vmem>> -> memref<768xf32, #tpu.memory_space<vmem>>
      %parallel_loop3A_219 = arith.index_cast %parallel_loop3A_202 : i32 to index
      %parallel_loop3A_220 = tpu.vector_load %parallel_loop3A_218[%parallel_loop3A_219] {strides = array<i32>} : memref<768xf32, #tpu.memory_space<vmem>>, vector<16xf32>,
      %parallel_loop3A_221 = vector.shape_cast %parallel_loop3A_220 : vector<16xf32> to vector<16xf32>
      %parallel_loop3A_222 = vector.shape_cast %parallel_loop3A_209 : vector<16xf32> to vector<16xf32>
      tpu.vector_store %parallel_loop3A_218[%parallel_loop3A_219], %parallel_loop3A_222 {add = true, strides = array<i32>} : memref<768xf32, #tpu.memory_space<vmem>>, vector<16xf32>,
    } {sc.loop_unroll_factor = 8 : i64, sc.parallel_access}
    %parallel_loop3A_81 = arith.constant 0 : i32
    %parallel_loop3A_82 = arith.constant 768 : i32
    %parallel_loop3A_83 = arith.constant 16 : i32
    scf.for %parallel_loop3A_202 = %parallel_loop3A_81 to %parallel_loop3A_82 step %parallel_loop3A_83  : i32 {
      %parallel_loop3A_203 = arith.constant 0 : i32
      %parallel_loop3A_204 = arith.constant 1 : i32
      %parallel_loop3A_205 = arith.index_cast %parallel_loop3A_203 : i32 to index
      %parallel_loop3A_206 = arith.index_cast %parallel_loop3A_204 : i32 to index
      %parallel_loop3A_207 = arith.index_cast %parallel_loop3A_202 : i32 to index
      %parallel_loop3A_208 = tpu.vector_load %arg6[%parallel_loop3A_205, %parallel_loop3A_206, %parallel_loop3A_207] {strides = array<i32>} : memref<2x32x768xf32, #tpu.memory_space<vmem>>, vector<1x1x16xf32>,
      %parallel_loop3A_209 = vector.shape_cast %parallel_loop3A_208 : vector<1x1x16xf32> to vector<16xf32>
      %parallel_loop3A_210 = arith.constant 0 : i32
      %parallel_loop3A_211 = arith.constant 1 : i32
      %parallel_loop3A_212 = arith.constant 0 : i32
      %parallel_loop3A_213 = arith.constant 0 : i32
      %parallel_loop3A_214 = tpu.memref_slice %arg5[%parallel_loop3A_210, %parallel_loop3A_212, %parallel_loop3A_213] : memref<2x32x768xf32, #tpu.memory_space<vmem>> -> memref<1x32x768xf32, #tpu.memory_space<vmem>>
      %parallel_loop3A_215 = tpu.memref_squeeze %parallel_loop3A_214 : memref<1x32x768xf32, #tpu.memory_space<vmem>> -> memref<32x768xf32, #tpu.memory_space<vmem>>
      %parallel_loop3A_216 = arith.constant 0 : i32
      %parallel_loop3A_217 = tpu.memref_slice %parallel_loop3A_215[%parallel_loop3A_211, %parallel_loop3A_216] : memref<32x768xf32, #tpu.memory_space<vmem>> -> memref<1x768xf32, #tpu.memory_space<vmem>>
      %parallel_loop3A_218 = tpu.memref_squeeze %parallel_loop3A_217 : memref<1x768xf32, #tpu.memory_space<vmem>> -> memref<768xf32, #tpu.memory_space<vmem>>
      %parallel_loop3A_219 = arith.index_cast %parallel_loop3A_202 : i32 to index
      %parallel_loop3A_220 = tpu.vector_load %parallel_loop3A_218[%parallel_loop3A_219] {strides = array<i32>} : memref<768xf32, #tpu.memory_space<vmem>>, vector<16xf32>,
      %parallel_loop3A_221 = vector.shape_cast %parallel_loop3A_220 : vector<16xf32> to vector<16xf32>
      %parallel_loop3A_222 = vector.shape_cast %parallel_loop3A_209 : vector<16xf32> to vector<16xf32>
      tpu.vector_store %parallel_loop3A_218[%parallel_loop3A_219], %parallel_loop3A_222 {add = true, strides = array<i32>} : memref<768xf32, #tpu.memory_space<vmem>>, vector<16xf32>,
    } {sc.loop_unroll_factor = 8 : i64, sc.parallel_access}
    %parallel_loop3A_84 = arith.constant 0 : i32
    %parallel_loop3A_85 = arith.constant 768 : i32
    %parallel_loop3A_86 = arith.constant 16 : i32
    scf.for %parallel_loop3A_202 = %parallel_loop3A_84 to %parallel_loop3A_85 step %parallel_loop3A_86  : i32 {
      %parallel_loop3A_203 = arith.constant 0 : i32
      %parallel_loop3A_204 = arith.constant 2 : i32
      %parallel_loop3A_205 = arith.index_cast %parallel_loop3A_203 : i32 to index
      %parallel_loop3A_206 = arith.index_cast %parallel_loop3A_204 : i32 to index
      %parallel_loop3A_207 = arith.index_cast %parallel_loop3A_202 : i32 to index
      %parallel_loop3A_208 = tpu.vector_load %arg6[%parallel_loop3A_205, %parallel_loop3A_206, %parallel_loop3A_207] {strides = array<i32>} : memref<2x32x768xf32, #tpu.memory_space<vmem>>, vector<1x1x16xf32>,
      %parallel_loop3A_209 = vector.shape_cast %parallel_loop3A_208 : vector<1x1x16xf32> to vector<16xf32>
      %parallel_loop3A_210 = arith.constant 0 : i32
      %parallel_loop3A_211 = arith.constant 2 : i32
      %parallel_loop3A_212 = arith.constant 0 : i32
      %parallel_loop3A_213 = arith.constant 0 : i32
      %parallel_loop3A_214 = tpu.memref_slice %arg5[%parallel_loop3A_210, %parallel_loop3A_212, %parallel_loop3A_213] : memref<2x32x768xf32, #tpu.memory_space<vmem>> -> memref<1x32x768xf32, #tpu.memory_space<vmem>>
      %parallel_loop3A_215 = tpu.memref_squeeze %parallel_loop3A_214 : memref<1x32x768xf32, #tpu.memory_space<vmem>> -> memref<32x768xf32, #tpu.memory_space<vmem>>
      %parallel_loop3A_216 = arith.constant 0 : i32
      %parallel_loop3A_217 = tpu.memref_slice %parallel_loop3A_215[%parallel_loop3A_211, %parallel_loop3A_216] : memref<32x768xf32, #tpu.memory_space<vmem>> -> memref<1x768xf32, #tpu.memory_space<vmem>>
      %parallel_loop3A_218 = tpu.memref_squeeze %parallel_loop3A_217 : memref<1x768xf32, #tpu.memory_space<vmem>> -> memref<768xf32, #tpu.memory_space<vmem>>
      %parallel_loop3A_219 = arith.index_cast %parallel_loop3A_202 : i32 to index
      %parallel_loop3A_220 = tpu.vector_load %parallel_loop3A_218[%parallel_loop3A_219] {strides = array<i32>} : memref<768xf32, #tpu.memory_space<vmem>>, vector<16xf32>,
      %parallel_loop3A_221 = vector.shape_cast %parallel_loop3A_220 : vector<16xf32> to vector<16xf32>
      %parallel_loop3A_222 = vector.shape_cast %parallel_loop3A_209 : vector<16xf32> to vector<16xf32>
      tpu.vector_store %parallel_loop3A_218[%parallel_loop3A_219], %parallel_loop3A_222 {add = true, strides = array<i32>} : memref<768xf32, #tpu.memory_space<vmem>>, vector<16xf32>,
    } {sc.loop_unroll_factor = 8 : i64, sc.parallel_access}
    %parallel_loop3A_87 = arith.constant 0 : i32
    %parallel_loop3A_88 = arith.constant 768 : i32
    %parallel_loop3A_89 = arith.constant 16 : i32
    scf.for %parallel_loop3A_202 = %parallel_loop3A_87 to %parallel_loop3A_88 step %parallel_loop3A_89  : i32 {
      %parallel_loop3A_203 = arith.constant 0 : i32
      %parallel_loop3A_204 = arith.constant 3 : i32
      %parallel_loop3A_205 = arith.index_cast %parallel_loop3A_203 : i32 to index
      %parallel_loop3A_206 = arith.index_cast %parallel_loop3A_204 : i32 to index
      %parallel_loop3A_207 = arith.index_cast %parallel_loop3A_202 : i32 to index
      %parallel_loop3A_208 = tpu.vector_load %arg6[%parallel_loop3A_205, %parallel_loop3A_206, %parallel_loop3A_207] {strides = array<i32>} : memref<2x32x768xf32, #tpu.memory_space<vmem>>, vector<1x1x16xf32>,
      %parallel_loop3A_209 = vector.shape_cast %parallel_loop3A_208 : vector<1x1x16xf32> to vector<16xf32>
      %parallel_loop3A_210 = arith.constant 0 : i32
      %parallel_loop3A_211 = arith.constant 3 : i32
      %parallel_loop3A_212 = arith.constant 0 : i32
      %parallel_loop3A_213 = arith.constant 0 : i32
      %parallel_loop3A_214 = tpu.memref_slice %arg5[%parallel_loop3A_210, %parallel_loop3A_212, %parallel_loop3A_213] : memref<2x32x768xf32, #tpu.memory_space<vmem>> -> memref<1x32x768xf32, #tpu.memory_space<vmem>>
      %parallel_loop3A_215 = tpu.memref_squeeze %parallel_loop3A_214 : memref<1x32x768xf32, #tpu.memory_space<vmem>> -> memref<32x768xf32, #tpu.memory_space<vmem>>
      %parallel_loop3A_216 = arith.constant 0 : i32
      %parallel_loop3A_217 = tpu.memref_slice %parallel_loop3A_215[%parallel_loop3A_211, %parallel_loop3A_216] : memref<32x768xf32, #tpu.memory_space<vmem>> -> memref<1x768xf32, #tpu.memory_space<vmem>>
      %parallel_loop3A_218 = tpu.memref_squeeze %parallel_loop3A_217 : memref<1x768xf32, #tpu.memory_space<vmem>> -> memref<768xf32, #tpu.memory_space<vmem>>
      %parallel_loop3A_219 = arith.index_cast %parallel_loop3A_202 : i32 to index
      %parallel_loop3A_220 = tpu.vector_load %parallel_loop3A_218[%parallel_loop3A_219] {strides = array<i32>} : memref<768xf32, #tpu.memory_space<vmem>>, vector<16xf32>,
      %parallel_loop3A_221 = vector.shape_cast %parallel_loop3A_220 : vector<16xf32> to vector<16xf32>
      %parallel_loop3A_222 = vector.shape_cast %parallel_loop3A_209 : vector<16xf32> to vector<16xf32>
      tpu.vector_store %parallel_loop3A_218[%parallel_loop3A_219], %parallel_loop3A_222 {add = true, strides = array<i32>} : memref<768xf32, #tpu.memory_space<vmem>>, vector<16xf32>,
    } {sc.loop_unroll_factor = 8 : i64, sc.parallel_access}
    %parallel_loop3A_90 = arith.constant 0 : i32
    %parallel_loop3A_91 = arith.constant 768 : i32
    %parallel_loop3A_92 = arith.constant 16 : i32
    scf.for %parallel_loop3A_202 = %parallel_loop3A_90 to %parallel_loop3A_91 step %parallel_loop3A_92  : i32 {
      %parallel_loop3A_203 = arith.constant 0 : i32
      %parallel_loop3A_204 = arith.constant 4 : i32
      %parallel_loop3A_205 = arith.index_cast %parallel_loop3A_203 : i32 to index
      %parallel_loop3A_206 = arith.index_cast %parallel_loop3A_204 : i32 to index
      %parallel_loop3A_207 = arith.index_cast %parallel_loop3A_202 : i32 to index
      %parallel_loop3A_208 = tpu.vector_load %arg6[%parallel_loop3A_205, %parallel_loop3A_206, %parallel_loop3A_207] {strides = array<i32>} : memref<2x32x768xf32, #tpu.memory_space<vmem>>, vector<1x1x16xf32>,
      %parallel_loop3A_209 = vector.shape_cast %parallel_loop3A_208 : vector<1x1x16xf32> to vector<16xf32>
      %parallel_loop3A_210 = arith.constant 0 : i32
      %parallel_loop3A_211 = arith.constant 4 : i32
      %parallel_loop3A_212 = arith.constant 0 : i32
      %parallel_loop3A_213 = arith.constant 0 : i32
      %parallel_loop3A_214 = tpu.memref_slice %arg5[%parallel_loop3A_210, %parallel_loop3A_212, %parallel_loop3A_213] : memref<2x32x768xf32, #tpu.memory_space<vmem>> -> memref<1x32x768xf32, #tpu.memory_space<vmem>>
      %parallel_loop3A_215 = tpu.memref_squeeze %parallel_loop3A_214 : memref<1x32x768xf32, #tpu.memory_space<vmem>> -> memref<32x768xf32, #tpu.memory_space<vmem>>
      %parallel_loop3A_216 = arith.constant 0 : i32
      %parallel_loop3A_217 = tpu.memref_slice %parallel_loop3A_215[%parallel_loop3A_211, %parallel_loop3A_216] : memref<32x768xf32, #tpu.memory_space<vmem>> -> memref<1x768xf32, #tpu.memory_space<vmem>>
      %parallel_loop3A_218 = tpu.memref_squeeze %parallel_loop3A_217 : memref<1x768xf32, #tpu.memory_space<vmem>> -> memref<768xf32, #tpu.memory_space<vmem>>
      %parallel_loop3A_219 = arith.index_cast %parallel_loop3A_202 : i32 to index
      %parallel_loop3A_220 = tpu.vector_load %parallel_loop3A_218[%parallel_loop3A_219] {strides = array<i32>} : memref<768xf32, #tpu.memory_space<vmem>>, vector<16xf32>,
      %parallel_loop3A_221 = vector.shape_cast %parallel_loop3A_220 : vector<16xf32> to vector<16xf32>
      %parallel_loop3A_222 = vector.shape_cast %parallel_loop3A_209 : vector<16xf32> to vector<16xf32>
      tpu.vector_store %parallel_loop3A_218[%parallel_loop3A_219], %parallel_loop3A_222 {add = true, strides = array<i32>} : memref<768xf32, #tpu.memory_space<vmem>>, vector<16xf32>,
    } {sc.loop_unroll_factor = 8 : i64, sc.parallel_access}
    %parallel_loop3A_93 = arith.constant 0 : i32
    %parallel_loop3A_94 = arith.constant 768 : i32
    %parallel_loop3A_95 = arith.constant 16 : i32
    scf.for %parallel_loop3A_202 = %parallel_loop3A_93 to %parallel_loop3A_94 step %parallel_loop3A_95  : i32 {
      %parallel_loop3A_203 = arith.constant 0 : i32
      %parallel_loop3A_204 = arith.constant 5 : i32
      %parallel_loop3A_205 = arith.index_cast %parallel_loop3A_203 : i32 to index
      %parallel_loop3A_206 = arith.index_cast %parallel_loop3A_204 : i32 to index
      %parallel_loop3A_207 = arith.index_cast %parallel_loop3A_202 : i32 to index
      %parallel_loop3A_208 = tpu.vector_load %arg6[%parallel_loop3A_205, %parallel_loop3A_206, %parallel_loop3A_207] {strides = array<i32>} : memref<2x32x768xf32, #tpu.memory_space<vmem>>, vector<1x1x16xf32>,
      %parallel_loop3A_209 = vector.shape_cast %parallel_loop3A_208 : vector<1x1x16xf32> to vector<16xf32>
      %parallel_loop3A_210 = arith.constant 0 : i32
      %parallel_loop3A_211 = arith.constant 5 : i32
      %parallel_loop3A_212 = arith.constant 0 : i32
      %parallel_loop3A_213 = arith.constant 0 : i32
      %parallel_loop3A_214 = tpu.memref_slice %arg5[%parallel_loop3A_210, %parallel_loop3A_212, %parallel_loop3A_213] : memref<2x32x768xf32, #tpu.memory_space<vmem>> -> memref<1x32x768xf32, #tpu.memory_space<vmem>>
      %parallel_loop3A_215 = tpu.memref_squeeze %parallel_loop3A_214 : memref<1x32x768xf32, #tpu.memory_space<vmem>> -> memref<32x768xf32, #tpu.memory_space<vmem>>
      %parallel_loop3A_216 = arith.constant 0 : i32
      %parallel_loop3A_217 = tpu.memref_slice %parallel_loop3A_215[%parallel_loop3A_211, %parallel_loop3A_216] : memref<32x768xf32, #tpu.memory_space<vmem>> -> memref<1x768xf32, #tpu.memory_space<vmem>>
      %parallel_loop3A_218 = tpu.memref_squeeze %parallel_loop3A_217 : memref<1x768xf32, #tpu.memory_space<vmem>> -> memref<768xf32, #tpu.memory_space<vmem>>
      %parallel_loop3A_219 = arith.index_cast %parallel_loop3A_202 : i32 to index
      %parallel_loop3A_220 = tpu.vector_load %parallel_loop3A_218[%parallel_loop3A_219] {strides = array<i32>} : memref<768xf32, #tpu.memory_space<vmem>>, vector<16xf32>,
      %parallel_loop3A_221 = vector.shape_cast %parallel_loop3A_220 : vector<16xf32> to vector<16xf32>
      %parallel_loop3A_222 = vector.shape_cast %parallel_loop3A_209 : vector<16xf32> to vector<16xf32>
      tpu.vector_store %parallel_loop3A_218[%parallel_loop3A_219], %parallel_loop3A_222 {add = true, strides = array<i32>} : memref<768xf32, #tpu.memory_space<vmem>>, vector<16xf32>,
    } {sc.loop_unroll_factor = 8 : i64, sc.parallel_access}
    %parallel_loop3A_96 = arith.constant 0 : i32
    %parallel_loop3A_97 = arith.constant 768 : i32
    %parallel_loop3A_98 = arith.constant 16 : i32
    scf.for %parallel_loop3A_202 = %parallel_loop3A_96 to %parallel_loop3A_97 step %parallel_loop3A_98  : i32 {
      %parallel_loop3A_203 = arith.constant 0 : i32
      %parallel_loop3A_204 = arith.constant 6 : i32
      %parallel_loop3A_205 = arith.index_cast %parallel_loop3A_203 : i32 to index
      %parallel_loop3A_206 = arith.index_cast %parallel_loop3A_204 : i32 to index
      %parallel_loop3A_207 = arith.index_cast %parallel_loop3A_202 : i32 to index
      %parallel_loop3A_208 = tpu.vector_load %arg6[%parallel_loop3A_205, %parallel_loop3A_206, %parallel_loop3A_207] {strides = array<i32>} : memref<2x32x768xf32, #tpu.memory_space<vmem>>, vector<1x1x16xf32>,
      %parallel_loop3A_209 = vector.shape_cast %parallel_loop3A_208 : vector<1x1x16xf32> to vector<16xf32>
      %parallel_loop3A_210 = arith.constant 0 : i32
      %parallel_loop3A_211 = arith.constant 6 : i32
      %parallel_loop3A_212 = arith.constant 0 : i32
      %parallel_loop3A_213 = arith.constant 0 : i32
      %parallel_loop3A_214 = tpu.memref_slice %arg5[%parallel_loop3A_210, %parallel_loop3A_212, %parallel_loop3A_213] : memref<2x32x768xf32, #tpu.memory_space<vmem>> -> memref<1x32x768xf32, #tpu.memory_space<vmem>>
      %parallel_loop3A_215 = tpu.memref_squeeze %parallel_loop3A_214 : memref<1x32x768xf32, #tpu.memory_space<vmem>> -> memref<32x768xf32, #tpu.memory_space<vmem>>
      %parallel_loop3A_216 = arith.constant 0 : i32
      %parallel_loop3A_217 = tpu.memref_slice %parallel_loop3A_215[%parallel_loop3A_211, %parallel_loop3A_216] : memref<32x768xf32, #tpu.memory_space<vmem>> -> memref<1x768xf32, #tpu.memory_space<vmem>>
      %parallel_loop3A_218 = tpu.memref_squeeze %parallel_loop3A_217 : memref<1x768xf32, #tpu.memory_space<vmem>> -> memref<768xf32, #tpu.memory_space<vmem>>
      %parallel_loop3A_219 = arith.index_cast %parallel_loop3A_202 : i32 to index
      %parallel_loop3A_220 = tpu.vector_load %parallel_loop3A_218[%parallel_loop3A_219] {strides = array<i32>} : memref<768xf32, #tpu.memory_space<vmem>>, vector<16xf32>,
      %parallel_loop3A_221 = vector.shape_cast %parallel_loop3A_220 : vector<16xf32> to vector<16xf32>
      %parallel_loop3A_222 = vector.shape_cast %parallel_loop3A_209 : vector<16xf32> to vector<16xf32>
      tpu.vector_store %parallel_loop3A_218[%parallel_loop3A_219], %parallel_loop3A_222 {add = true, strides = array<i32>} : memref<768xf32, #tpu.memory_space<vmem>>, vector<16xf32>,
    } {sc.loop_unroll_factor = 8 : i64, sc.parallel_access}
    %parallel_loop3A_99 = arith.constant 0 : i32
    %parallel_loop3A_100 = arith.constant 768 : i32
    %parallel_loop3A_101 = arith.constant 16 : i32
    scf.for %parallel_loop3A_202 = %parallel_loop3A_99 to %parallel_loop3A_100 step %parallel_loop3A_101  : i32 {
      %parallel_loop3A_203 = arith.constant 0 : i32
      %parallel_loop3A_204 = arith.constant 7 : i32
      %parallel_loop3A_205 = arith.index_cast %parallel_loop3A_203 : i32 to index
      %parallel_loop3A_206 = arith.index_cast %parallel_loop3A_204 : i32 to index
      %parallel_loop3A_207 = arith.index_cast %parallel_loop3A_202 : i32 to index
      %parallel_loop3A_208 = tpu.vector_load %arg6[%parallel_loop3A_205, %parallel_loop3A_206, %parallel_loop3A_207] {strides = array<i32>} : memref<2x32x768xf32, #tpu.memory_space<vmem>>, vector<1x1x16xf32>,
      %parallel_loop3A_209 = vector.shape_cast %parallel_loop3A_208 : vector<1x1x16xf32> to vector<16xf32>
      %parallel_loop3A_210 = arith.constant 0 : i32
      %parallel_loop3A_211 = arith.constant 7 : i32
      %parallel_loop3A_212 = arith.constant 0 : i32
      %parallel_loop3A_213 = arith.constant 0 : i32
      %parallel_loop3A_214 = tpu.memref_slice %arg5[%parallel_loop3A_210, %parallel_loop3A_212, %parallel_loop3A_213] : memref<2x32x768xf32, #tpu.memory_space<vmem>> -> memref<1x32x768xf32, #tpu.memory_space<vmem>>
      %parallel_loop3A_215 = tpu.memref_squeeze %parallel_loop3A_214 : memref<1x32x768xf32, #tpu.memory_space<vmem>> -> memref<32x768xf32, #tpu.memory_space<vmem>>
      %parallel_loop3A_216 = arith.constant 0 : i32
      %parallel_loop3A_217 = tpu.memref_slice %parallel_loop3A_215[%parallel_loop3A_211, %parallel_loop3A_216] : memref<32x768xf32, #tpu.memory_space<vmem>> -> memref<1x768xf32, #tpu.memory_space<vmem>>
      %parallel_loop3A_218 = tpu.memref_squeeze %parallel_loop3A_217 : memref<1x768xf32, #tpu.memory_space<vmem>> -> memref<768xf32, #tpu.memory_space<vmem>>
      %parallel_loop3A_219 = arith.index_cast %parallel_loop3A_202 : i32 to index
      %parallel_loop3A_220 = tpu.vector_load %parallel_loop3A_218[%parallel_loop3A_219] {strides = array<i32>} : memref<768xf32, #tpu.memory_space<vmem>>, vector<16xf32>,
      %parallel_loop3A_221 = vector.shape_cast %parallel_loop3A_220 : vector<16xf32> to vector<16xf32>
      %parallel_loop3A_222 = vector.shape_cast %parallel_loop3A_209 : vector<16xf32> to vector<16xf32>
      tpu.vector_store %parallel_loop3A_218[%parallel_loop3A_219], %parallel_loop3A_222 {add = true, strides = array<i32>} : memref<768xf32, #tpu.memory_space<vmem>>, vector<16xf32>,
    } {sc.loop_unroll_factor = 8 : i64, sc.parallel_access}
    %parallel_loop3A_102 = arith.constant 0 : i32
    %parallel_loop3A_103 = arith.constant 768 : i32
    %parallel_loop3A_104 = arith.constant 16 : i32
    scf.for %parallel_loop3A_202 = %parallel_loop3A_102 to %parallel_loop3A_103 step %parallel_loop3A_104  : i32 {
      %parallel_loop3A_203 = arith.constant 0 : i32
      %parallel_loop3A_204 = arith.constant 8 : i32
      %parallel_loop3A_205 = arith.index_cast %parallel_loop3A_203 : i32 to index
      %parallel_loop3A_206 = arith.index_cast %parallel_loop3A_204 : i32 to index
      %parallel_loop3A_207 = arith.index_cast %parallel_loop3A_202 : i32 to index
      %parallel_loop3A_208 = tpu.vector_load %arg6[%parallel_loop3A_205, %parallel_loop3A_206, %parallel_loop3A_207] {strides = array<i32>} : memref<2x32x768xf32, #tpu.memory_space<vmem>>, vector<1x1x16xf32>,
      %parallel_loop3A_209 = vector.shape_cast %parallel_loop3A_208 : vector<1x1x16xf32> to vector<16xf32>
      %parallel_loop3A_210 = arith.constant 0 : i32
      %parallel_loop3A_211 = arith.constant 8 : i32
      %parallel_loop3A_212 = arith.constant 0 : i32
      %parallel_loop3A_213 = arith.constant 0 : i32
      %parallel_loop3A_214 = tpu.memref_slice %arg5[%parallel_loop3A_210, %parallel_loop3A_212, %parallel_loop3A_213] : memref<2x32x768xf32, #tpu.memory_space<vmem>> -> memref<1x32x768xf32, #tpu.memory_space<vmem>>
      %parallel_loop3A_215 = tpu.memref_squeeze %parallel_loop3A_214 : memref<1x32x768xf32, #tpu.memory_space<vmem>> -> memref<32x768xf32, #tpu.memory_space<vmem>>
      %parallel_loop3A_216 = arith.constant 0 : i32
      %parallel_loop3A_217 = tpu.memref_slice %parallel_loop3A_215[%parallel_loop3A_211, %parallel_loop3A_216] : memref<32x768xf32, #tpu.memory_space<vmem>> -> memref<1x768xf32, #tpu.memory_space<vmem>>
      %parallel_loop3A_218 = tpu.memref_squeeze %parallel_loop3A_217 : memref<1x768xf32, #tpu.memory_space<vmem>> -> memref<768xf32, #tpu.memory_space<vmem>>
      %parallel_loop3A_219 = arith.index_cast %parallel_loop3A_202 : i32 to index
      %parallel_loop3A_220 = tpu.vector_load %parallel_loop3A_218[%parallel_loop3A_219] {strides = array<i32>} : memref<768xf32, #tpu.memory_space<vmem>>, vector<16xf32>,
      %parallel_loop3A_221 = vector.shape_cast %parallel_loop3A_220 : vector<16xf32> to vector<16xf32>
      %parallel_loop3A_222 = vector.shape_cast %parallel_loop3A_209 : vector<16xf32> to vector<16xf32>
      tpu.vector_store %parallel_loop3A_218[%parallel_loop3A_219], %parallel_loop3A_222 {add = true, strides = array<i32>} : memref<768xf32, #tpu.memory_space<vmem>>, vector<16xf32>,
    } {sc.loop_unroll_factor = 8 : i64, sc.parallel_access}
    %parallel_loop3A_105 = arith.constant 0 : i32
    %parallel_loop3A_106 = arith.constant 768 : i32
    %parallel_loop3A_107 = arith.constant 16 : i32
    scf.for %parallel_loop3A_202 = %parallel_loop3A_105 to %parallel_loop3A_106 step %parallel_loop3A_107  : i32 {
      %parallel_loop3A_203 = arith.constant 0 : i32
      %parallel_loop3A_204 = arith.constant 9 : i32
      %parallel_loop3A_205 = arith.index_cast %parallel_loop3A_203 : i32 to index
      %parallel_loop3A_206 = arith.index_cast %parallel_loop3A_204 : i32 to index
      %parallel_loop3A_207 = arith.index_cast %parallel_loop3A_202 : i32 to index
      %parallel_loop3A_208 = tpu.vector_load %arg6[%parallel_loop3A_205, %parallel_loop3A_206, %parallel_loop3A_207] {strides = array<i32>} : memref<2x32x768xf32, #tpu.memory_space<vmem>>, vector<1x1x16xf32>,
      %parallel_loop3A_209 = vector.shape_cast %parallel_loop3A_208 : vector<1x1x16xf32> to vector<16xf32>
      %parallel_loop3A_210 = arith.constant 0 : i32
      %parallel_loop3A_211 = arith.constant 9 : i32
      %parallel_loop3A_212 = arith.constant 0 : i32
      %parallel_loop3A_213 = arith.constant 0 : i32
      %parallel_loop3A_214 = tpu.memref_slice %arg5[%parallel_loop3A_210, %parallel_loop3A_212, %parallel_loop3A_213] : memref<2x32x768xf32, #tpu.memory_space<vmem>> -> memref<1x32x768xf32, #tpu.memory_space<vmem>>
      %parallel_loop3A_215 = tpu.memref_squeeze %parallel_loop3A_214 : memref<1x32x768xf32, #tpu.memory_space<vmem>> -> memref<32x768xf32, #tpu.memory_space<vmem>>
      %parallel_loop3A_216 = arith.constant 0 : i32
      %parallel_loop3A_217 = tpu.memref_slice %parallel_loop3A_215[%parallel_loop3A_211, %parallel_loop3A_216] : memref<32x768xf32, #tpu.memory_space<vmem>> -> memref<1x768xf32, #tpu.memory_space<vmem>>
      %parallel_loop3A_218 = tpu.memref_squeeze %parallel_loop3A_217 : memref<1x768xf32, #tpu.memory_space<vmem>> -> memref<768xf32, #tpu.memory_space<vmem>>
      %parallel_loop3A_219 = arith.index_cast %parallel_loop3A_202 : i32 to index
      %parallel_loop3A_220 = tpu.vector_load %parallel_loop3A_218[%parallel_loop3A_219] {strides = array<i32>} : memref<768xf32, #tpu.memory_space<vmem>>, vector<16xf32>,
      %parallel_loop3A_221 = vector.shape_cast %parallel_loop3A_220 : vector<16xf32> to vector<16xf32>
      %parallel_loop3A_222 = vector.shape_cast %parallel_loop3A_209 : vector<16xf32> to vector<16xf32>
      tpu.vector_store %parallel_loop3A_218[%parallel_loop3A_219], %parallel_loop3A_222 {add = true, strides = array<i32>} : memref<768xf32, #tpu.memory_space<vmem>>, vector<16xf32>,
    } {sc.loop_unroll_factor = 8 : i64, sc.parallel_access}
    %parallel_loop3A_108 = arith.constant 0 : i32
    %parallel_loop3A_109 = arith.constant 768 : i32
    %parallel_loop3A_110 = arith.constant 16 : i32
    scf.for %parallel_loop3A_202 = %parallel_loop3A_108 to %parallel_loop3A_109 step %parallel_loop3A_110  : i32 {
      %parallel_loop3A_203 = arith.constant 0 : i32
      %parallel_loop3A_204 = arith.constant 10 : i32
      %parallel_loop3A_205 = arith.index_cast %parallel_loop3A_203 : i32 to index
      %parallel_loop3A_206 = arith.index_cast %parallel_loop3A_204 : i32 to index
      %parallel_loop3A_207 = arith.index_cast %parallel_loop3A_202 : i32 to index
      %parallel_loop3A_208 = tpu.vector_load %arg6[%parallel_loop3A_205, %parallel_loop3A_206, %parallel_loop3A_207] {strides = array<i32>} : memref<2x32x768xf32, #tpu.memory_space<vmem>>, vector<1x1x16xf32>,
      %parallel_loop3A_209 = vector.shape_cast %parallel_loop3A_208 : vector<1x1x16xf32> to vector<16xf32>
      %parallel_loop3A_210 = arith.constant 0 : i32
      %parallel_loop3A_211 = arith.constant 10 : i32
      %parallel_loop3A_212 = arith.constant 0 : i32
      %parallel_loop3A_213 = arith.constant 0 : i32
      %parallel_loop3A_214 = tpu.memref_slice %arg5[%parallel_loop3A_210, %parallel_loop3A_212, %parallel_loop3A_213] : memref<2x32x768xf32, #tpu.memory_space<vmem>> -> memref<1x32x768xf32, #tpu.memory_space<vmem>>
      %parallel_loop3A_215 = tpu.memref_squeeze %parallel_loop3A_214 : memref<1x32x768xf32, #tpu.memory_space<vmem>> -> memref<32x768xf32, #tpu.memory_space<vmem>>
      %parallel_loop3A_216 = arith.constant 0 : i32
      %parallel_loop3A_217 = tpu.memref_slice %parallel_loop3A_215[%parallel_loop3A_211, %parallel_loop3A_216] : memref<32x768xf32, #tpu.memory_space<vmem>> -> memref<1x768xf32, #tpu.memory_space<vmem>>
      %parallel_loop3A_218 = tpu.memref_squeeze %parallel_loop3A_217 : memref<1x768xf32, #tpu.memory_space<vmem>> -> memref<768xf32, #tpu.memory_space<vmem>>
      %parallel_loop3A_219 = arith.index_cast %parallel_loop3A_202 : i32 to index
      %parallel_loop3A_220 = tpu.vector_load %parallel_loop3A_218[%parallel_loop3A_219] {strides = array<i32>} : memref<768xf32, #tpu.memory_space<vmem>>, vector<16xf32>,
      %parallel_loop3A_221 = vector.shape_cast %parallel_loop3A_220 : vector<16xf32> to vector<16xf32>
      %parallel_loop3A_222 = vector.shape_cast %parallel_loop3A_209 : vector<16xf32> to vector<16xf32>
      tpu.vector_store %parallel_loop3A_218[%parallel_loop3A_219], %parallel_loop3A_222 {add = true, strides = array<i32>} : memref<768xf32, #tpu.memory_space<vmem>>, vector<16xf32>,
    } {sc.loop_unroll_factor = 8 : i64, sc.parallel_access}
    %parallel_loop3A_111 = arith.constant 0 : i32
    %parallel_loop3A_112 = arith.constant 768 : i32
    %parallel_loop3A_113 = arith.constant 16 : i32
    scf.for %parallel_loop3A_202 = %parallel_loop3A_111 to %parallel_loop3A_112 step %parallel_loop3A_113  : i32 {
      %parallel_loop3A_203 = arith.constant 0 : i32
      %parallel_loop3A_204 = arith.constant 11 : i32
      %parallel_loop3A_205 = arith.index_cast %parallel_loop3A_203 : i32 to index
      %parallel_loop3A_206 = arith.index_cast %parallel_loop3A_204 : i32 to index
      %parallel_loop3A_207 = arith.index_cast %parallel_loop3A_202 : i32 to index
      %parallel_loop3A_208 = tpu.vector_load %arg6[%parallel_loop3A_205, %parallel_loop3A_206, %parallel_loop3A_207] {strides = array<i32>} : memref<2x32x768xf32, #tpu.memory_space<vmem>>, vector<1x1x16xf32>,
      %parallel_loop3A_209 = vector.shape_cast %parallel_loop3A_208 : vector<1x1x16xf32> to vector<16xf32>
      %parallel_loop3A_210 = arith.constant 0 : i32
      %parallel_loop3A_211 = arith.constant 11 : i32
      %parallel_loop3A_212 = arith.constant 0 : i32
      %parallel_loop3A_213 = arith.constant 0 : i32
      %parallel_loop3A_214 = tpu.memref_slice %arg5[%parallel_loop3A_210, %parallel_loop3A_212, %parallel_loop3A_213] : memref<2x32x768xf32, #tpu.memory_space<vmem>> -> memref<1x32x768xf32, #tpu.memory_space<vmem>>
      %parallel_loop3A_215 = tpu.memref_squeeze %parallel_loop3A_214 : memref<1x32x768xf32, #tpu.memory_space<vmem>> -> memref<32x768xf32, #tpu.memory_space<vmem>>
      %parallel_loop3A_216 = arith.constant 0 : i32
      %parallel_loop3A_217 = tpu.memref_slice %parallel_loop3A_215[%parallel_loop3A_211, %parallel_loop3A_216] : memref<32x768xf32, #tpu.memory_space<vmem>> -> memref<1x768xf32, #tpu.memory_space<vmem>>
      %parallel_loop3A_218 = tpu.memref_squeeze %parallel_loop3A_217 : memref<1x768xf32, #tpu.memory_space<vmem>> -> memref<768xf32, #tpu.memory_space<vmem>>
      %parallel_loop3A_219 = arith.index_cast %parallel_loop3A_202 : i32 to index
      %parallel_loop3A_220 = tpu.vector_load %parallel_loop3A_218[%parallel_loop3A_219] {strides = array<i32>} : memref<768xf32, #tpu.memory_space<vmem>>, vector<16xf32>,
      %parallel_loop3A_221 = vector.shape_cast %parallel_loop3A_220 : vector<16xf32> to vector<16xf32>
      %parallel_loop3A_222 = vector.shape_cast %parallel_loop3A_209 : vector<16xf32> to vector<16xf32>
      tpu.vector_store %parallel_loop3A_218[%parallel_loop3A_219], %parallel_loop3A_222 {add = true, strides = array<i32>} : memref<768xf32, #tpu.memory_space<vmem>>, vector<16xf32>,
    } {sc.loop_unroll_factor = 8 : i64, sc.parallel_access}
    %parallel_loop3A_114 = arith.constant 0 : i32
    %parallel_loop3A_115 = arith.constant 768 : i32
    %parallel_loop3A_116 = arith.constant 16 : i32
    scf.for %parallel_loop3A_202 = %parallel_loop3A_114 to %parallel_loop3A_115 step %parallel_loop3A_116  : i32 {
      %parallel_loop3A_203 = arith.constant 0 : i32
      %parallel_loop3A_204 = arith.constant 12 : i32
      %parallel_loop3A_205 = arith.index_cast %parallel_loop3A_203 : i32 to index
      %parallel_loop3A_206 = arith.index_cast %parallel_loop3A_204 : i32 to index
      %parallel_loop3A_207 = arith.index_cast %parallel_loop3A_202 : i32 to index
      %parallel_loop3A_208 = tpu.vector_load %arg6[%parallel_loop3A_205, %parallel_loop3A_206, %parallel_loop3A_207] {strides = array<i32>} : memref<2x32x768xf32, #tpu.memory_space<vmem>>, vector<1x1x16xf32>,
      %parallel_loop3A_209 = vector.shape_cast %parallel_loop3A_208 : vector<1x1x16xf32> to vector<16xf32>
      %parallel_loop3A_210 = arith.constant 0 : i32
      %parallel_loop3A_211 = arith.constant 12 : i32
      %parallel_loop3A_212 = arith.constant 0 : i32
      %parallel_loop3A_213 = arith.constant 0 : i32
      %parallel_loop3A_214 = tpu.memref_slice %arg5[%parallel_loop3A_210, %parallel_loop3A_212, %parallel_loop3A_213] : memref<2x32x768xf32, #tpu.memory_space<vmem>> -> memref<1x32x768xf32, #tpu.memory_space<vmem>>
      %parallel_loop3A_215 = tpu.memref_squeeze %parallel_loop3A_214 : memref<1x32x768xf32, #tpu.memory_space<vmem>> -> memref<32x768xf32, #tpu.memory_space<vmem>>
      %parallel_loop3A_216 = arith.constant 0 : i32
      %parallel_loop3A_217 = tpu.memref_slice %parallel_loop3A_215[%parallel_loop3A_211, %parallel_loop3A_216] : memref<32x768xf32, #tpu.memory_space<vmem>> -> memref<1x768xf32, #tpu.memory_space<vmem>>
      %parallel_loop3A_218 = tpu.memref_squeeze %parallel_loop3A_217 : memref<1x768xf32, #tpu.memory_space<vmem>> -> memref<768xf32, #tpu.memory_space<vmem>>
      %parallel_loop3A_219 = arith.index_cast %parallel_loop3A_202 : i32 to index
      %parallel_loop3A_220 = tpu.vector_load %parallel_loop3A_218[%parallel_loop3A_219] {strides = array<i32>} : memref<768xf32, #tpu.memory_space<vmem>>, vector<16xf32>,
      %parallel_loop3A_221 = vector.shape_cast %parallel_loop3A_220 : vector<16xf32> to vector<16xf32>
      %parallel_loop3A_222 = vector.shape_cast %parallel_loop3A_209 : vector<16xf32> to vector<16xf32>
      tpu.vector_store %parallel_loop3A_218[%parallel_loop3A_219], %parallel_loop3A_222 {add = true, strides = array<i32>} : memref<768xf32, #tpu.memory_space<vmem>>, vector<16xf32>,
    } {sc.loop_unroll_factor = 8 : i64, sc.parallel_access}
    %parallel_loop3A_117 = arith.constant 0 : i32
    %parallel_loop3A_118 = arith.constant 768 : i32
    %parallel_loop3A_119 = arith.constant 16 : i32
    scf.for %parallel_loop3A_202 = %parallel_loop3A_117 to %parallel_loop3A_118 step %parallel_loop3A_119  : i32 {
      %parallel_loop3A_203 = arith.constant 0 : i32
      %parallel_loop3A_204 = arith.constant 13 : i32
      %parallel_loop3A_205 = arith.index_cast %parallel_loop3A_203 : i32 to index
      %parallel_loop3A_206 = arith.index_cast %parallel_loop3A_204 : i32 to index
      %parallel_loop3A_207 = arith.index_cast %parallel_loop3A_202 : i32 to index
      %parallel_loop3A_208 = tpu.vector_load %arg6[%parallel_loop3A_205, %parallel_loop3A_206, %parallel_loop3A_207] {strides = array<i32>} : memref<2x32x768xf32, #tpu.memory_space<vmem>>, vector<1x1x16xf32>,
      %parallel_loop3A_209 = vector.shape_cast %parallel_loop3A_208 : vector<1x1x16xf32> to vector<16xf32>
      %parallel_loop3A_210 = arith.constant 0 : i32
      %parallel_loop3A_211 = arith.constant 13 : i32
      %parallel_loop3A_212 = arith.constant 0 : i32
      %parallel_loop3A_213 = arith.constant 0 : i32
      %parallel_loop3A_214 = tpu.memref_slice %arg5[%parallel_loop3A_210, %parallel_loop3A_212, %parallel_loop3A_213] : memref<2x32x768xf32, #tpu.memory_space<vmem>> -> memref<1x32x768xf32, #tpu.memory_space<vmem>>
      %parallel_loop3A_215 = tpu.memref_squeeze %parallel_loop3A_214 : memref<1x32x768xf32, #tpu.memory_space<vmem>> -> memref<32x768xf32, #tpu.memory_space<vmem>>
      %parallel_loop3A_216 = arith.constant 0 : i32
      %parallel_loop3A_217 = tpu.memref_slice %parallel_loop3A_215[%parallel_loop3A_211, %parallel_loop3A_216] : memref<32x768xf32, #tpu.memory_space<vmem>> -> memref<1x768xf32, #tpu.memory_space<vmem>>
      %parallel_loop3A_218 = tpu.memref_squeeze %parallel_loop3A_217 : memref<1x768xf32, #tpu.memory_space<vmem>> -> memref<768xf32, #tpu.memory_space<vmem>>
      %parallel_loop3A_219 = arith.index_cast %parallel_loop3A_202 : i32 to index
      %parallel_loop3A_220 = tpu.vector_load %parallel_loop3A_218[%parallel_loop3A_219] {strides = array<i32>} : memref<768xf32, #tpu.memory_space<vmem>>, vector<16xf32>,
      %parallel_loop3A_221 = vector.shape_cast %parallel_loop3A_220 : vector<16xf32> to vector<16xf32>
      %parallel_loop3A_222 = vector.shape_cast %parallel_loop3A_209 : vector<16xf32> to vector<16xf32>
      tpu.vector_store %parallel_loop3A_218[%parallel_loop3A_219], %parallel_loop3A_222 {add = true, strides = array<i32>} : memref<768xf32, #tpu.memory_space<vmem>>, vector<16xf32>,
    } {sc.loop_unroll_factor = 8 : i64, sc.parallel_access}
    %parallel_loop3A_120 = arith.constant 0 : i32
    %parallel_loop3A_121 = arith.constant 768 : i32
    %parallel_loop3A_122 = arith.constant 16 : i32
    scf.for %parallel_loop3A_202 = %parallel_loop3A_120 to %parallel_loop3A_121 step %parallel_loop3A_122  : i32 {
      %parallel_loop3A_203 = arith.constant 0 : i32
      %parallel_loop3A_204 = arith.constant 14 : i32
      %parallel_loop3A_205 = arith.index_cast %parallel_loop3A_203 : i32 to index
      %parallel_loop3A_206 = arith.index_cast %parallel_loop3A_204 : i32 to index
      %parallel_loop3A_207 = arith.index_cast %parallel_loop3A_202 : i32 to index
      %parallel_loop3A_208 = tpu.vector_load %arg6[%parallel_loop3A_205, %parallel_loop3A_206, %parallel_loop3A_207] {strides = array<i32>} : memref<2x32x768xf32, #tpu.memory_space<vmem>>, vector<1x1x16xf32>,
      %parallel_loop3A_209 = vector.shape_cast %parallel_loop3A_208 : vector<1x1x16xf32> to vector<16xf32>
      %parallel_loop3A_210 = arith.constant 0 : i32
      %parallel_loop3A_211 = arith.constant 14 : i32
      %parallel_loop3A_212 = arith.constant 0 : i32
      %parallel_loop3A_213 = arith.constant 0 : i32
      %parallel_loop3A_214 = tpu.memref_slice %arg5[%parallel_loop3A_210, %parallel_loop3A_212, %parallel_loop3A_213] : memref<2x32x768xf32, #tpu.memory_space<vmem>> -> memref<1x32x768xf32, #tpu.memory_space<vmem>>
      %parallel_loop3A_215 = tpu.memref_squeeze %parallel_loop3A_214 : memref<1x32x768xf32, #tpu.memory_space<vmem>> -> memref<32x768xf32, #tpu.memory_space<vmem>>
      %parallel_loop3A_216 = arith.constant 0 : i32
      %parallel_loop3A_217 = tpu.memref_slice %parallel_loop3A_215[%parallel_loop3A_211, %parallel_loop3A_216] : memref<32x768xf32, #tpu.memory_space<vmem>> -> memref<1x768xf32, #tpu.memory_space<vmem>>
      %parallel_loop3A_218 = tpu.memref_squeeze %parallel_loop3A_217 : memref<1x768xf32, #tpu.memory_space<vmem>> -> memref<768xf32, #tpu.memory_space<vmem>>
      %parallel_loop3A_219 = arith.index_cast %parallel_loop3A_202 : i32 to index
      %parallel_loop3A_220 = tpu.vector_load %parallel_loop3A_218[%parallel_loop3A_219] {strides = array<i32>} : memref<768xf32, #tpu.memory_space<vmem>>, vector<16xf32>,
      %parallel_loop3A_221 = vector.shape_cast %parallel_loop3A_220 : vector<16xf32> to vector<16xf32>
      %parallel_loop3A_222 = vector.shape_cast %parallel_loop3A_209 : vector<16xf32> to vector<16xf32>
      tpu.vector_store %parallel_loop3A_218[%parallel_loop3A_219], %parallel_loop3A_222 {add = true, strides = array<i32>} : memref<768xf32, #tpu.memory_space<vmem>>, vector<16xf32>,
    } {sc.loop_unroll_factor = 8 : i64, sc.parallel_access}
    %parallel_loop3A_123 = arith.constant 0 : i32
    %parallel_loop3A_124 = arith.constant 768 : i32
    %parallel_loop3A_125 = arith.constant 16 : i32
    scf.for %parallel_loop3A_202 = %parallel_loop3A_123 to %parallel_loop3A_124 step %parallel_loop3A_125  : i32 {
      %parallel_loop3A_203 = arith.constant 0 : i32
      %parallel_loop3A_204 = arith.constant 15 : i32
      %parallel_loop3A_205 = arith.index_cast %parallel_loop3A_203 : i32 to index
      %parallel_loop3A_206 = arith.index_cast %parallel_loop3A_204 : i32 to index
      %parallel_loop3A_207 = arith.index_cast %parallel_loop3A_202 : i32 to index
      %parallel_loop3A_208 = tpu.vector_load %arg6[%parallel_loop3A_205, %parallel_loop3A_206, %parallel_loop3A_207] {strides = array<i32>} : memref<2x32x768xf32, #tpu.memory_space<vmem>>, vector<1x1x16xf32>,
      %parallel_loop3A_209 = vector.shape_cast %parallel_loop3A_208 : vector<1x1x16xf32> to vector<16xf32>
      %parallel_loop3A_210 = arith.constant 0 : i32
      %parallel_loop3A_211 = arith.constant 15 : i32
      %parallel_loop3A_212 = arith.constant 0 : i32
      %parallel_loop3A_213 = arith.constant 0 : i32
      %parallel_loop3A_214 = tpu.memref_slice %arg5[%parallel_loop3A_210, %parallel_loop3A_212, %parallel_loop3A_213] : memref<2x32x768xf32, #tpu.memory_space<vmem>> -> memref<1x32x768xf32, #tpu.memory_space<vmem>>
      %parallel_loop3A_215 = tpu.memref_squeeze %parallel_loop3A_214 : memref<1x32x768xf32, #tpu.memory_space<vmem>> -> memref<32x768xf32, #tpu.memory_space<vmem>>
      %parallel_loop3A_216 = arith.constant 0 : i32
      %parallel_loop3A_217 = tpu.memref_slice %parallel_loop3A_215[%parallel_loop3A_211, %parallel_loop3A_216] : memref<32x768xf32, #tpu.memory_space<vmem>> -> memref<1x768xf32, #tpu.memory_space<vmem>>
      %parallel_loop3A_218 = tpu.memref_squeeze %parallel_loop3A_217 : memref<1x768xf32, #tpu.memory_space<vmem>> -> memref<768xf32, #tpu.memory_space<vmem>>
      %parallel_loop3A_219 = arith.index_cast %parallel_loop3A_202 : i32 to index
      %parallel_loop3A_220 = tpu.vector_load %parallel_loop3A_218[%parallel_loop3A_219] {strides = array<i32>} : memref<768xf32, #tpu.memory_space<vmem>>, vector<16xf32>,
      %parallel_loop3A_221 = vector.shape_cast %parallel_loop3A_220 : vector<16xf32> to vector<16xf32>
      %parallel_loop3A_222 = vector.shape_cast %parallel_loop3A_209 : vector<16xf32> to vector<16xf32>
      tpu.vector_store %parallel_loop3A_218[%parallel_loop3A_219], %parallel_loop3A_222 {add = true, strides = array<i32>} : memref<768xf32, #tpu.memory_space<vmem>>, vector<16xf32>,
    } {sc.loop_unroll_factor = 8 : i64, sc.parallel_access}
    %parallel_loop3A_126 = arith.constant 0 : i32
    %parallel_loop3A_127 = arith.constant 768 : i32
    %parallel_loop3A_128 = arith.constant 16 : i32
    scf.for %parallel_loop3A_202 = %parallel_loop3A_126 to %parallel_loop3A_127 step %parallel_loop3A_128  : i32 {
      %parallel_loop3A_203 = arith.constant 0 : i32
      %parallel_loop3A_204 = arith.constant 16 : i32
      %parallel_loop3A_205 = arith.index_cast %parallel_loop3A_203 : i32 to index
      %parallel_loop3A_206 = arith.index_cast %parallel_loop3A_204 : i32 to index
      %parallel_loop3A_207 = arith.index_cast %parallel_loop3A_202 : i32 to index
      %parallel_loop3A_208 = tpu.vector_load %arg6[%parallel_loop3A_205, %parallel_loop3A_206, %parallel_loop3A_207] {strides = array<i32>} : memref<2x32x768xf32, #tpu.memory_space<vmem>>, vector<1x1x16xf32>,
      %parallel_loop3A_209 = vector.shape_cast %parallel_loop3A_208 : vector<1x1x16xf32> to vector<16xf32>
      %parallel_loop3A_210 = arith.constant 0 : i32
      %parallel_loop3A_211 = arith.constant 16 : i32
      %parallel_loop3A_212 = arith.constant 0 : i32
      %parallel_loop3A_213 = arith.constant 0 : i32
      %parallel_loop3A_214 = tpu.memref_slice %arg5[%parallel_loop3A_210, %parallel_loop3A_212, %parallel_loop3A_213] : memref<2x32x768xf32, #tpu.memory_space<vmem>> -> memref<1x32x768xf32, #tpu.memory_space<vmem>>
      %parallel_loop3A_215 = tpu.memref_squeeze %parallel_loop3A_214 : memref<1x32x768xf32, #tpu.memory_space<vmem>> -> memref<32x768xf32, #tpu.memory_space<vmem>>
      %parallel_loop3A_216 = arith.constant 0 : i32
      %parallel_loop3A_217 = tpu.memref_slice %parallel_loop3A_215[%parallel_loop3A_211, %parallel_loop3A_216] : memref<32x768xf32, #tpu.memory_space<vmem>> -> memref<1x768xf32, #tpu.memory_space<vmem>>
      %parallel_loop3A_218 = tpu.memref_squeeze %parallel_loop3A_217 : memref<1x768xf32, #tpu.memory_space<vmem>> -> memref<768xf32, #tpu.memory_space<vmem>>
      %parallel_loop3A_219 = arith.index_cast %parallel_loop3A_202 : i32 to index
      %parallel_loop3A_220 = tpu.vector_load %parallel_loop3A_218[%parallel_loop3A_219] {strides = array<i32>} : memref<768xf32, #tpu.memory_space<vmem>>, vector<16xf32>,
      %parallel_loop3A_221 = vector.shape_cast %parallel_loop3A_220 : vector<16xf32> to vector<16xf32>
      %parallel_loop3A_222 = vector.shape_cast %parallel_loop3A_209 : vector<16xf32> to vector<16xf32>
      tpu.vector_store %parallel_loop3A_218[%parallel_loop3A_219], %parallel_loop3A_222 {add = true, strides = array<i32>} : memref<768xf32, #tpu.memory_space<vmem>>, vector<16xf32>,
    } {sc.loop_unroll_factor = 8 : i64, sc.parallel_access}
    %parallel_loop3A_129 = arith.constant 0 : i32
    %parallel_loop3A_130 = arith.constant 768 : i32
    %parallel_loop3A_131 = arith.constant 16 : i32
    scf.for %parallel_loop3A_202 = %parallel_loop3A_129 to %parallel_loop3A_130 step %parallel_loop3A_131  : i32 {
      %parallel_loop3A_203 = arith.constant 0 : i32
      %parallel_loop3A_204 = arith.constant 17 : i32
      %parallel_loop3A_205 = arith.index_cast %parallel_loop3A_203 : i32 to index
      %parallel_loop3A_206 = arith.index_cast %parallel_loop3A_204 : i32 to index
      %parallel_loop3A_207 = arith.index_cast %parallel_loop3A_202 : i32 to index
      %parallel_loop3A_208 = tpu.vector_load %arg6[%parallel_loop3A_205, %parallel_loop3A_206, %parallel_loop3A_207] {strides = array<i32>} : memref<2x32x768xf32, #tpu.memory_space<vmem>>, vector<1x1x16xf32>,
      %parallel_loop3A_209 = vector.shape_cast %parallel_loop3A_208 : vector<1x1x16xf32> to vector<16xf32>
      %parallel_loop3A_210 = arith.constant 0 : i32
      %parallel_loop3A_211 = arith.constant 17 : i32
      %parallel_loop3A_212 = arith.constant 0 : i32
      %parallel_loop3A_213 = arith.constant 0 : i32
      %parallel_loop3A_214 = tpu.memref_slice %arg5[%parallel_loop3A_210, %parallel_loop3A_212, %parallel_loop3A_213] : memref<2x32x768xf32, #tpu.memory_space<vmem>> -> memref<1x32x768xf32, #tpu.memory_space<vmem>>
      %parallel_loop3A_215 = tpu.memref_squeeze %parallel_loop3A_214 : memref<1x32x768xf32, #tpu.memory_space<vmem>> -> memref<32x768xf32, #tpu.memory_space<vmem>>
      %parallel_loop3A_216 = arith.constant 0 : i32
      %parallel_loop3A_217 = tpu.memref_slice %parallel_loop3A_215[%parallel_loop3A_211, %parallel_loop3A_216] : memref<32x768xf32, #tpu.memory_space<vmem>> -> memref<1x768xf32, #tpu.memory_space<vmem>>
      %parallel_loop3A_218 = tpu.memref_squeeze %parallel_loop3A_217 : memref<1x768xf32, #tpu.memory_space<vmem>> -> memref<768xf32, #tpu.memory_space<vmem>>
      %parallel_loop3A_219 = arith.index_cast %parallel_loop3A_202 : i32 to index
      %parallel_loop3A_220 = tpu.vector_load %parallel_loop3A_218[%parallel_loop3A_219] {strides = array<i32>} : memref<768xf32, #tpu.memory_space<vmem>>, vector<16xf32>,
      %parallel_loop3A_221 = vector.shape_cast %parallel_loop3A_220 : vector<16xf32> to vector<16xf32>
      %parallel_loop3A_222 = vector.shape_cast %parallel_loop3A_209 : vector<16xf32> to vector<16xf32>
      tpu.vector_store %parallel_loop3A_218[%parallel_loop3A_219], %parallel_loop3A_222 {add = true, strides = array<i32>} : memref<768xf32, #tpu.memory_space<vmem>>, vector<16xf32>,
    } {sc.loop_unroll_factor = 8 : i64, sc.parallel_access}
    %parallel_loop3A_132 = arith.constant 0 : i32
    %parallel_loop3A_133 = arith.constant 768 : i32
    %parallel_loop3A_134 = arith.constant 16 : i32
    scf.for %parallel_loop3A_202 = %parallel_loop3A_132 to %parallel_loop3A_133 step %parallel_loop3A_134  : i32 {
      %parallel_loop3A_203 = arith.constant 0 : i32
      %parallel_loop3A_204 = arith.constant 18 : i32
      %parallel_loop3A_205 = arith.index_cast %parallel_loop3A_203 : i32 to index
      %parallel_loop3A_206 = arith.index_cast %parallel_loop3A_204 : i32 to index
      %parallel_loop3A_207 = arith.index_cast %parallel_loop3A_202 : i32 to index
      %parallel_loop3A_208 = tpu.vector_load %arg6[%parallel_loop3A_205, %parallel_loop3A_206, %parallel_loop3A_207] {strides = array<i32>} : memref<2x32x768xf32, #tpu.memory_space<vmem>>, vector<1x1x16xf32>,
      %parallel_loop3A_209 = vector.shape_cast %parallel_loop3A_208 : vector<1x1x16xf32> to vector<16xf32>
      %parallel_loop3A_210 = arith.constant 0 : i32
      %parallel_loop3A_211 = arith.constant 18 : i32
      %parallel_loop3A_212 = arith.constant 0 : i32
      %parallel_loop3A_213 = arith.constant 0 : i32
      %parallel_loop3A_214 = tpu.memref_slice %arg5[%parallel_loop3A_210, %parallel_loop3A_212, %parallel_loop3A_213] : memref<2x32x768xf32, #tpu.memory_space<vmem>> -> memref<1x32x768xf32, #tpu.memory_space<vmem>>
      %parallel_loop3A_215 = tpu.memref_squeeze %parallel_loop3A_214 : memref<1x32x768xf32, #tpu.memory_space<vmem>> -> memref<32x768xf32, #tpu.memory_space<vmem>>
      %parallel_loop3A_216 = arith.constant 0 : i32
      %parallel_loop3A_217 = tpu.memref_slice %parallel_loop3A_215[%parallel_loop3A_211, %parallel_loop3A_216] : memref<32x768xf32, #tpu.memory_space<vmem>> -> memref<1x768xf32, #tpu.memory_space<vmem>>
      %parallel_loop3A_218 = tpu.memref_squeeze %parallel_loop3A_217 : memref<1x768xf32, #tpu.memory_space<vmem>> -> memref<768xf32, #tpu.memory_space<vmem>>
      %parallel_loop3A_219 = arith.index_cast %parallel_loop3A_202 : i32 to index
      %parallel_loop3A_220 = tpu.vector_load %parallel_loop3A_218[%parallel_loop3A_219] {strides = array<i32>} : memref<768xf32, #tpu.memory_space<vmem>>, vector<16xf32>,
      %parallel_loop3A_221 = vector.shape_cast %parallel_loop3A_220 : vector<16xf32> to vector<16xf32>
      %parallel_loop3A_222 = vector.shape_cast %parallel_loop3A_209 : vector<16xf32> to vector<16xf32>
      tpu.vector_store %parallel_loop3A_218[%parallel_loop3A_219], %parallel_loop3A_222 {add = true, strides = array<i32>} : memref<768xf32, #tpu.memory_space<vmem>>, vector<16xf32>,
    } {sc.loop_unroll_factor = 8 : i64, sc.parallel_access}
    %parallel_loop3A_135 = arith.constant 0 : i32
    %parallel_loop3A_136 = arith.constant 768 : i32
    %parallel_loop3A_137 = arith.constant 16 : i32
    scf.for %parallel_loop3A_202 = %parallel_loop3A_135 to %parallel_loop3A_136 step %parallel_loop3A_137  : i32 {
      %parallel_loop3A_203 = arith.constant 0 : i32
      %parallel_loop3A_204 = arith.constant 19 : i32
      %parallel_loop3A_205 = arith.index_cast %parallel_loop3A_203 : i32 to index
      %parallel_loop3A_206 = arith.index_cast %parallel_loop3A_204 : i32 to index
      %parallel_loop3A_207 = arith.index_cast %parallel_loop3A_202 : i32 to index
      %parallel_loop3A_208 = tpu.vector_load %arg6[%parallel_loop3A_205, %parallel_loop3A_206, %parallel_loop3A_207] {strides = array<i32>} : memref<2x32x768xf32, #tpu.memory_space<vmem>>, vector<1x1x16xf32>,
      %parallel_loop3A_209 = vector.shape_cast %parallel_loop3A_208 : vector<1x1x16xf32> to vector<16xf32>
      %parallel_loop3A_210 = arith.constant 0 : i32
      %parallel_loop3A_211 = arith.constant 19 : i32
      %parallel_loop3A_212 = arith.constant 0 : i32
      %parallel_loop3A_213 = arith.constant 0 : i32
      %parallel_loop3A_214 = tpu.memref_slice %arg5[%parallel_loop3A_210, %parallel_loop3A_212, %parallel_loop3A_213] : memref<2x32x768xf32, #tpu.memory_space<vmem>> -> memref<1x32x768xf32, #tpu.memory_space<vmem>>
      %parallel_loop3A_215 = tpu.memref_squeeze %parallel_loop3A_214 : memref<1x32x768xf32, #tpu.memory_space<vmem>> -> memref<32x768xf32, #tpu.memory_space<vmem>>
      %parallel_loop3A_216 = arith.constant 0 : i32
      %parallel_loop3A_217 = tpu.memref_slice %parallel_loop3A_215[%parallel_loop3A_211, %parallel_loop3A_216] : memref<32x768xf32, #tpu.memory_space<vmem>> -> memref<1x768xf32, #tpu.memory_space<vmem>>
      %parallel_loop3A_218 = tpu.memref_squeeze %parallel_loop3A_217 : memref<1x768xf32, #tpu.memory_space<vmem>> -> memref<768xf32, #tpu.memory_space<vmem>>
      %parallel_loop3A_219 = arith.index_cast %parallel_loop3A_202 : i32 to index
      %parallel_loop3A_220 = tpu.vector_load %parallel_loop3A_218[%parallel_loop3A_219] {strides = array<i32>} : memref<768xf32, #tpu.memory_space<vmem>>, vector<16xf32>,
      %parallel_loop3A_221 = vector.shape_cast %parallel_loop3A_220 : vector<16xf32> to vector<16xf32>
      %parallel_loop3A_222 = vector.shape_cast %parallel_loop3A_209 : vector<16xf32> to vector<16xf32>
      tpu.vector_store %parallel_loop3A_218[%parallel_loop3A_219], %parallel_loop3A_222 {add = true, strides = array<i32>} : memref<768xf32, #tpu.memory_space<vmem>>, vector<16xf32>,
    } {sc.loop_unroll_factor = 8 : i64, sc.parallel_access}
    %parallel_loop3A_138 = arith.constant 0 : i32
    %parallel_loop3A_139 = arith.constant 768 : i32
    %parallel_loop3A_140 = arith.constant 16 : i32
    scf.for %parallel_loop3A_202 = %parallel_loop3A_138 to %parallel_loop3A_139 step %parallel_loop3A_140  : i32 {
      %parallel_loop3A_203 = arith.constant 0 : i32
      %parallel_loop3A_204 = arith.constant 20 : i32
      %parallel_loop3A_205 = arith.index_cast %parallel_loop3A_203 : i32 to index
      %parallel_loop3A_206 = arith.index_cast %parallel_loop3A_204 : i32 to index
      %parallel_loop3A_207 = arith.index_cast %parallel_loop3A_202 : i32 to index
      %parallel_loop3A_208 = tpu.vector_load %arg6[%parallel_loop3A_205, %parallel_loop3A_206, %parallel_loop3A_207] {strides = array<i32>} : memref<2x32x768xf32, #tpu.memory_space<vmem>>, vector<1x1x16xf32>,
      %parallel_loop3A_209 = vector.shape_cast %parallel_loop3A_208 : vector<1x1x16xf32> to vector<16xf32>
      %parallel_loop3A_210 = arith.constant 0 : i32
      %parallel_loop3A_211 = arith.constant 20 : i32
      %parallel_loop3A_212 = arith.constant 0 : i32
      %parallel_loop3A_213 = arith.constant 0 : i32
      %parallel_loop3A_214 = tpu.memref_slice %arg5[%parallel_loop3A_210, %parallel_loop3A_212, %parallel_loop3A_213] : memref<2x32x768xf32, #tpu.memory_space<vmem>> -> memref<1x32x768xf32, #tpu.memory_space<vmem>>
      %parallel_loop3A_215 = tpu.memref_squeeze %parallel_loop3A_214 : memref<1x32x768xf32, #tpu.memory_space<vmem>> -> memref<32x768xf32, #tpu.memory_space<vmem>>
      %parallel_loop3A_216 = arith.constant 0 : i32
      %parallel_loop3A_217 = tpu.memref_slice %parallel_loop3A_215[%parallel_loop3A_211, %parallel_loop3A_216] : memref<32x768xf32, #tpu.memory_space<vmem>> -> memref<1x768xf32, #tpu.memory_space<vmem>>
      %parallel_loop3A_218 = tpu.memref_squeeze %parallel_loop3A_217 : memref<1x768xf32, #tpu.memory_space<vmem>> -> memref<768xf32, #tpu.memory_space<vmem>>
      %parallel_loop3A_219 = arith.index_cast %parallel_loop3A_202 : i32 to index
      %parallel_loop3A_220 = tpu.vector_load %parallel_loop3A_218[%parallel_loop3A_219] {strides = array<i32>} : memref<768xf32, #tpu.memory_space<vmem>>, vector<16xf32>,
      %parallel_loop3A_221 = vector.shape_cast %parallel_loop3A_220 : vector<16xf32> to vector<16xf32>
      %parallel_loop3A_222 = vector.shape_cast %parallel_loop3A_209 : vector<16xf32> to vector<16xf32>
      tpu.vector_store %parallel_loop3A_218[%parallel_loop3A_219], %parallel_loop3A_222 {add = true, strides = array<i32>} : memref<768xf32, #tpu.memory_space<vmem>>, vector<16xf32>,
    } {sc.loop_unroll_factor = 8 : i64, sc.parallel_access}
    %parallel_loop3A_141 = arith.constant 0 : i32
    %parallel_loop3A_142 = arith.constant 768 : i32
    %parallel_loop3A_143 = arith.constant 16 : i32
    scf.for %parallel_loop3A_202 = %parallel_loop3A_141 to %parallel_loop3A_142 step %parallel_loop3A_143  : i32 {
      %parallel_loop3A_203 = arith.constant 0 : i32
      %parallel_loop3A_204 = arith.constant 21 : i32
      %parallel_loop3A_205 = arith.index_cast %parallel_loop3A_203 : i32 to index
      %parallel_loop3A_206 = arith.index_cast %parallel_loop3A_204 : i32 to index
      %parallel_loop3A_207 = arith.index_cast %parallel_loop3A_202 : i32 to index
      %parallel_loop3A_208 = tpu.vector_load %arg6[%parallel_loop3A_205, %parallel_loop3A_206, %parallel_loop3A_207] {strides = array<i32>} : memref<2x32x768xf32, #tpu.memory_space<vmem>>, vector<1x1x16xf32>,
      %parallel_loop3A_209 = vector.shape_cast %parallel_loop3A_208 : vector<1x1x16xf32> to vector<16xf32>
      %parallel_loop3A_210 = arith.constant 0 : i32
      %parallel_loop3A_211 = arith.constant 21 : i32
      %parallel_loop3A_212 = arith.constant 0 : i32
      %parallel_loop3A_213 = arith.constant 0 : i32
      %parallel_loop3A_214 = tpu.memref_slice %arg5[%parallel_loop3A_210, %parallel_loop3A_212, %parallel_loop3A_213] : memref<2x32x768xf32, #tpu.memory_space<vmem>> -> memref<1x32x768xf32, #tpu.memory_space<vmem>>
      %parallel_loop3A_215 = tpu.memref_squeeze %parallel_loop3A_214 : memref<1x32x768xf32, #tpu.memory_space<vmem>> -> memref<32x768xf32, #tpu.memory_space<vmem>>
      %parallel_loop3A_216 = arith.constant 0 : i32
      %parallel_loop3A_217 = tpu.memref_slice %parallel_loop3A_215[%parallel_loop3A_211, %parallel_loop3A_216] : memref<32x768xf32, #tpu.memory_space<vmem>> -> memref<1x768xf32, #tpu.memory_space<vmem>>
      %parallel_loop3A_218 = tpu.memref_squeeze %parallel_loop3A_217 : memref<1x768xf32, #tpu.memory_space<vmem>> -> memref<768xf32, #tpu.memory_space<vmem>>
      %parallel_loop3A_219 = arith.index_cast %parallel_loop3A_202 : i32 to index
      %parallel_loop3A_220 = tpu.vector_load %parallel_loop3A_218[%parallel_loop3A_219] {strides = array<i32>} : memref<768xf32, #tpu.memory_space<vmem>>, vector<16xf32>,
      %parallel_loop3A_221 = vector.shape_cast %parallel_loop3A_220 : vector<16xf32> to vector<16xf32>
      %parallel_loop3A_222 = vector.shape_cast %parallel_loop3A_209 : vector<16xf32> to vector<16xf32>
      tpu.vector_store %parallel_loop3A_218[%parallel_loop3A_219], %parallel_loop3A_222 {add = true, strides = array<i32>} : memref<768xf32, #tpu.memory_space<vmem>>, vector<16xf32>,
    } {sc.loop_unroll_factor = 8 : i64, sc.parallel_access}
    %parallel_loop3A_144 = arith.constant 0 : i32
    %parallel_loop3A_145 = arith.constant 768 : i32
    %parallel_loop3A_146 = arith.constant 16 : i32
    scf.for %parallel_loop3A_202 = %parallel_loop3A_144 to %parallel_loop3A_145 step %parallel_loop3A_146  : i32 {
      %parallel_loop3A_203 = arith.constant 0 : i32
      %parallel_loop3A_204 = arith.constant 22 : i32
      %parallel_loop3A_205 = arith.index_cast %parallel_loop3A_203 : i32 to index
      %parallel_loop3A_206 = arith.index_cast %parallel_loop3A_204 : i32 to index
      %parallel_loop3A_207 = arith.index_cast %parallel_loop3A_202 : i32 to index
      %parallel_loop3A_208 = tpu.vector_load %arg6[%parallel_loop3A_205, %parallel_loop3A_206, %parallel_loop3A_207] {strides = array<i32>} : memref<2x32x768xf32, #tpu.memory_space<vmem>>, vector<1x1x16xf32>,
      %parallel_loop3A_209 = vector.shape_cast %parallel_loop3A_208 : vector<1x1x16xf32> to vector<16xf32>
      %parallel_loop3A_210 = arith.constant 0 : i32
      %parallel_loop3A_211 = arith.constant 22 : i32
      %parallel_loop3A_212 = arith.constant 0 : i32
      %parallel_loop3A_213 = arith.constant 0 : i32
      %parallel_loop3A_214 = tpu.memref_slice %arg5[%parallel_loop3A_210, %parallel_loop3A_212, %parallel_loop3A_213] : memref<2x32x768xf32, #tpu.memory_space<vmem>> -> memref<1x32x768xf32, #tpu.memory_space<vmem>>
      %parallel_loop3A_215 = tpu.memref_squeeze %parallel_loop3A_214 : memref<1x32x768xf32, #tpu.memory_space<vmem>> -> memref<32x768xf32, #tpu.memory_space<vmem>>
      %parallel_loop3A_216 = arith.constant 0 : i32
      %parallel_loop3A_217 = tpu.memref_slice %parallel_loop3A_215[%parallel_loop3A_211, %parallel_loop3A_216] : memref<32x768xf32, #tpu.memory_space<vmem>> -> memref<1x768xf32, #tpu.memory_space<vmem>>
      %parallel_loop3A_218 = tpu.memref_squeeze %parallel_loop3A_217 : memref<1x768xf32, #tpu.memory_space<vmem>> -> memref<768xf32, #tpu.memory_space<vmem>>
      %parallel_loop3A_219 = arith.index_cast %parallel_loop3A_202 : i32 to index
      %parallel_loop3A_220 = tpu.vector_load %parallel_loop3A_218[%parallel_loop3A_219] {strides = array<i32>} : memref<768xf32, #tpu.memory_space<vmem>>, vector<16xf32>,
      %parallel_loop3A_221 = vector.shape_cast %parallel_loop3A_220 : vector<16xf32> to vector<16xf32>
      %parallel_loop3A_222 = vector.shape_cast %parallel_loop3A_209 : vector<16xf32> to vector<16xf32>
      tpu.vector_store %parallel_loop3A_218[%parallel_loop3A_219], %parallel_loop3A_222 {add = true, strides = array<i32>} : memref<768xf32, #tpu.memory_space<vmem>>, vector<16xf32>,
    } {sc.loop_unroll_factor = 8 : i64, sc.parallel_access}
    %parallel_loop3A_147 = arith.constant 0 : i32
    %parallel_loop3A_148 = arith.constant 768 : i32
    %parallel_loop3A_149 = arith.constant 16 : i32
    scf.for %parallel_loop3A_202 = %parallel_loop3A_147 to %parallel_loop3A_148 step %parallel_loop3A_149  : i32 {
      %parallel_loop3A_203 = arith.constant 0 : i32
      %parallel_loop3A_204 = arith.constant 23 : i32
      %parallel_loop3A_205 = arith.index_cast %parallel_loop3A_203 : i32 to index
      %parallel_loop3A_206 = arith.index_cast %parallel_loop3A_204 : i32 to index
      %parallel_loop3A_207 = arith.index_cast %parallel_loop3A_202 : i32 to index
      %parallel_loop3A_208 = tpu.vector_load %arg6[%parallel_loop3A_205, %parallel_loop3A_206, %parallel_loop3A_207] {strides = array<i32>} : memref<2x32x768xf32, #tpu.memory_space<vmem>>, vector<1x1x16xf32>,
      %parallel_loop3A_209 = vector.shape_cast %parallel_loop3A_208 : vector<1x1x16xf32> to vector<16xf32>
      %parallel_loop3A_210 = arith.constant 0 : i32
      %parallel_loop3A_211 = arith.constant 23 : i32
      %parallel_loop3A_212 = arith.constant 0 : i32
      %parallel_loop3A_213 = arith.constant 0 : i32
      %parallel_loop3A_214 = tpu.memref_slice %arg5[%parallel_loop3A_210, %parallel_loop3A_212, %parallel_loop3A_213] : memref<2x32x768xf32, #tpu.memory_space<vmem>> -> memref<1x32x768xf32, #tpu.memory_space<vmem>>
      %parallel_loop3A_215 = tpu.memref_squeeze %parallel_loop3A_214 : memref<1x32x768xf32, #tpu.memory_space<vmem>> -> memref<32x768xf32, #tpu.memory_space<vmem>>
      %parallel_loop3A_216 = arith.constant 0 : i32
      %parallel_loop3A_217 = tpu.memref_slice %parallel_loop3A_215[%parallel_loop3A_211, %parallel_loop3A_216] : memref<32x768xf32, #tpu.memory_space<vmem>> -> memref<1x768xf32, #tpu.memory_space<vmem>>
      %parallel_loop3A_218 = tpu.memref_squeeze %parallel_loop3A_217 : memref<1x768xf32, #tpu.memory_space<vmem>> -> memref<768xf32, #tpu.memory_space<vmem>>
      %parallel_loop3A_219 = arith.index_cast %parallel_loop3A_202 : i32 to index
      %parallel_loop3A_220 = tpu.vector_load %parallel_loop3A_218[%parallel_loop3A_219] {strides = array<i32>} : memref<768xf32, #tpu.memory_space<vmem>>, vector<16xf32>,
      %parallel_loop3A_221 = vector.shape_cast %parallel_loop3A_220 : vector<16xf32> to vector<16xf32>
      %parallel_loop3A_222 = vector.shape_cast %parallel_loop3A_209 : vector<16xf32> to vector<16xf32>
      tpu.vector_store %parallel_loop3A_218[%parallel_loop3A_219], %parallel_loop3A_222 {add = true, strides = array<i32>} : memref<768xf32, #tpu.memory_space<vmem>>, vector<16xf32>,
    } {sc.loop_unroll_factor = 8 : i64, sc.parallel_access}
    %parallel_loop3A_150 = arith.constant 0 : i32
    %parallel_loop3A_151 = arith.constant 768 : i32
    %parallel_loop3A_152 = arith.constant 16 : i32
    scf.for %parallel_loop3A_202 = %parallel_loop3A_150 to %parallel_loop3A_151 step %parallel_loop3A_152  : i32 {
      %parallel_loop3A_203 = arith.constant 0 : i32
      %parallel_loop3A_204 = arith.constant 24 : i32
      %parallel_loop3A_205 = arith.index_cast %parallel_loop3A_203 : i32 to index
      %parallel_loop3A_206 = arith.index_cast %parallel_loop3A_204 : i32 to index
      %parallel_loop3A_207 = arith.index_cast %parallel_loop3A_202 : i32 to index
      %parallel_loop3A_208 = tpu.vector_load %arg6[%parallel_loop3A_205, %parallel_loop3A_206, %parallel_loop3A_207] {strides = array<i32>} : memref<2x32x768xf32, #tpu.memory_space<vmem>>, vector<1x1x16xf32>,
      %parallel_loop3A_209 = vector.shape_cast %parallel_loop3A_208 : vector<1x1x16xf32> to vector<16xf32>
      %parallel_loop3A_210 = arith.constant 0 : i32
      %parallel_loop3A_211 = arith.constant 24 : i32
      %parallel_loop3A_212 = arith.constant 0 : i32
      %parallel_loop3A_213 = arith.constant 0 : i32
      %parallel_loop3A_214 = tpu.memref_slice %arg5[%parallel_loop3A_210, %parallel_loop3A_212, %parallel_loop3A_213] : memref<2x32x768xf32, #tpu.memory_space<vmem>> -> memref<1x32x768xf32, #tpu.memory_space<vmem>>
      %parallel_loop3A_215 = tpu.memref_squeeze %parallel_loop3A_214 : memref<1x32x768xf32, #tpu.memory_space<vmem>> -> memref<32x768xf32, #tpu.memory_space<vmem>>
      %parallel_loop3A_216 = arith.constant 0 : i32
      %parallel_loop3A_217 = tpu.memref_slice %parallel_loop3A_215[%parallel_loop3A_211, %parallel_loop3A_216] : memref<32x768xf32, #tpu.memory_space<vmem>> -> memref<1x768xf32, #tpu.memory_space<vmem>>
      %parallel_loop3A_218 = tpu.memref_squeeze %parallel_loop3A_217 : memref<1x768xf32, #tpu.memory_space<vmem>> -> memref<768xf32, #tpu.memory_space<vmem>>
      %parallel_loop3A_219 = arith.index_cast %parallel_loop3A_202 : i32 to index
      %parallel_loop3A_220 = tpu.vector_load %parallel_loop3A_218[%parallel_loop3A_219] {strides = array<i32>} : memref<768xf32, #tpu.memory_space<vmem>>, vector<16xf32>,
      %parallel_loop3A_221 = vector.shape_cast %parallel_loop3A_220 : vector<16xf32> to vector<16xf32>
      %parallel_loop3A_222 = vector.shape_cast %parallel_loop3A_209 : vector<16xf32> to vector<16xf32>
      tpu.vector_store %parallel_loop3A_218[%parallel_loop3A_219], %parallel_loop3A_222 {add = true, strides = array<i32>} : memref<768xf32, #tpu.memory_space<vmem>>, vector<16xf32>,
    } {sc.loop_unroll_factor = 8 : i64, sc.parallel_access}
    %parallel_loop3A_153 = arith.constant 0 : i32
    %parallel_loop3A_154 = arith.constant 768 : i32
    %parallel_loop3A_155 = arith.constant 16 : i32
    scf.for %parallel_loop3A_202 = %parallel_loop3A_153 to %parallel_loop3A_154 step %parallel_loop3A_155  : i32 {
      %parallel_loop3A_203 = arith.constant 0 : i32
      %parallel_loop3A_204 = arith.constant 25 : i32
      %parallel_loop3A_205 = arith.index_cast %parallel_loop3A_203 : i32 to index
      %parallel_loop3A_206 = arith.index_cast %parallel_loop3A_204 : i32 to index
      %parallel_loop3A_207 = arith.index_cast %parallel_loop3A_202 : i32 to index
      %parallel_loop3A_208 = tpu.vector_load %arg6[%parallel_loop3A_205, %parallel_loop3A_206, %parallel_loop3A_207] {strides = array<i32>} : memref<2x32x768xf32, #tpu.memory_space<vmem>>, vector<1x1x16xf32>,
      %parallel_loop3A_209 = vector.shape_cast %parallel_loop3A_208 : vector<1x1x16xf32> to vector<16xf32>
      %parallel_loop3A_210 = arith.constant 0 : i32
      %parallel_loop3A_211 = arith.constant 25 : i32
      %parallel_loop3A_212 = arith.constant 0 : i32
      %parallel_loop3A_213 = arith.constant 0 : i32
      %parallel_loop3A_214 = tpu.memref_slice %arg5[%parallel_loop3A_210, %parallel_loop3A_212, %parallel_loop3A_213] : memref<2x32x768xf32, #tpu.memory_space<vmem>> -> memref<1x32x768xf32, #tpu.memory_space<vmem>>
      %parallel_loop3A_215 = tpu.memref_squeeze %parallel_loop3A_214 : memref<1x32x768xf32, #tpu.memory_space<vmem>> -> memref<32x768xf32, #tpu.memory_space<vmem>>
      %parallel_loop3A_216 = arith.constant 0 : i32
      %parallel_loop3A_217 = tpu.memref_slice %parallel_loop3A_215[%parallel_loop3A_211, %parallel_loop3A_216] : memref<32x768xf32, #tpu.memory_space<vmem>> -> memref<1x768xf32, #tpu.memory_space<vmem>>
      %parallel_loop3A_218 = tpu.memref_squeeze %parallel_loop3A_217 : memref<1x768xf32, #tpu.memory_space<vmem>> -> memref<768xf32, #tpu.memory_space<vmem>>
      %parallel_loop3A_219 = arith.index_cast %parallel_loop3A_202 : i32 to index
      %parallel_loop3A_220 = tpu.vector_load %parallel_loop3A_218[%parallel_loop3A_219] {strides = array<i32>} : memref<768xf32, #tpu.memory_space<vmem>>, vector<16xf32>,
      %parallel_loop3A_221 = vector.shape_cast %parallel_loop3A_220 : vector<16xf32> to vector<16xf32>
      %parallel_loop3A_222 = vector.shape_cast %parallel_loop3A_209 : vector<16xf32> to vector<16xf32>
      tpu.vector_store %parallel_loop3A_218[%parallel_loop3A_219], %parallel_loop3A_222 {add = true, strides = array<i32>} : memref<768xf32, #tpu.memory_space<vmem>>, vector<16xf32>,
    } {sc.loop_unroll_factor = 8 : i64, sc.parallel_access}
    %parallel_loop3A_156 = arith.constant 0 : i32
    %parallel_loop3A_157 = arith.constant 768 : i32
    %parallel_loop3A_158 = arith.constant 16 : i32
    scf.for %parallel_loop3A_202 = %parallel_loop3A_156 to %parallel_loop3A_157 step %parallel_loop3A_158  : i32 {
      %parallel_loop3A_203 = arith.constant 0 : i32
      %parallel_loop3A_204 = arith.constant 26 : i32
      %parallel_loop3A_205 = arith.index_cast %parallel_loop3A_203 : i32 to index
      %parallel_loop3A_206 = arith.index_cast %parallel_loop3A_204 : i32 to index
      %parallel_loop3A_207 = arith.index_cast %parallel_loop3A_202 : i32 to index
      %parallel_loop3A_208 = tpu.vector_load %arg6[%parallel_loop3A_205, %parallel_loop3A_206, %parallel_loop3A_207] {strides = array<i32>} : memref<2x32x768xf32, #tpu.memory_space<vmem>>, vector<1x1x16xf32>,
      %parallel_loop3A_209 = vector.shape_cast %parallel_loop3A_208 : vector<1x1x16xf32> to vector<16xf32>
      %parallel_loop3A_210 = arith.constant 0 : i32
      %parallel_loop3A_211 = arith.constant 26 : i32
      %parallel_loop3A_212 = arith.constant 0 : i32
      %parallel_loop3A_213 = arith.constant 0 : i32
      %parallel_loop3A_214 = tpu.memref_slice %arg5[%parallel_loop3A_210, %parallel_loop3A_212, %parallel_loop3A_213] : memref<2x32x768xf32, #tpu.memory_space<vmem>> -> memref<1x32x768xf32, #tpu.memory_space<vmem>>
      %parallel_loop3A_215 = tpu.memref_squeeze %parallel_loop3A_214 : memref<1x32x768xf32, #tpu.memory_space<vmem>> -> memref<32x768xf32, #tpu.memory_space<vmem>>
      %parallel_loop3A_216 = arith.constant 0 : i32
      %parallel_loop3A_217 = tpu.memref_slice %parallel_loop3A_215[%parallel_loop3A_211, %parallel_loop3A_216] : memref<32x768xf32, #tpu.memory_space<vmem>> -> memref<1x768xf32, #tpu.memory_space<vmem>>
      %parallel_loop3A_218 = tpu.memref_squeeze %parallel_loop3A_217 : memref<1x768xf32, #tpu.memory_space<vmem>> -> memref<768xf32, #tpu.memory_space<vmem>>
      %parallel_loop3A_219 = arith.index_cast %parallel_loop3A_202 : i32 to index
      %parallel_loop3A_220 = tpu.vector_load %parallel_loop3A_218[%parallel_loop3A_219] {strides = array<i32>} : memref<768xf32, #tpu.memory_space<vmem>>, vector<16xf32>,
      %parallel_loop3A_221 = vector.shape_cast %parallel_loop3A_220 : vector<16xf32> to vector<16xf32>
      %parallel_loop3A_222 = vector.shape_cast %parallel_loop3A_209 : vector<16xf32> to vector<16xf32>
      tpu.vector_store %parallel_loop3A_218[%parallel_loop3A_219], %parallel_loop3A_222 {add = true, strides = array<i32>} : memref<768xf32, #tpu.memory_space<vmem>>, vector<16xf32>,
    } {sc.loop_unroll_factor = 8 : i64, sc.parallel_access}
    %parallel_loop3A_159 = arith.constant 0 : i32
    %parallel_loop3A_160 = arith.constant 768 : i32
    %parallel_loop3A_161 = arith.constant 16 : i32
    scf.for %parallel_loop3A_202 = %parallel_loop3A_159 to %parallel_loop3A_160 step %parallel_loop3A_161  : i32 {
      %parallel_loop3A_203 = arith.constant 0 : i32
      %parallel_loop3A_204 = arith.constant 27 : i32
      %parallel_loop3A_205 = arith.index_cast %parallel_loop3A_203 : i32 to index
      %parallel_loop3A_206 = arith.index_cast %parallel_loop3A_204 : i32 to index
      %parallel_loop3A_207 = arith.index_cast %parallel_loop3A_202 : i32 to index
      %parallel_loop3A_208 = tpu.vector_load %arg6[%parallel_loop3A_205, %parallel_loop3A_206, %parallel_loop3A_207] {strides = array<i32>} : memref<2x32x768xf32, #tpu.memory_space<vmem>>, vector<1x1x16xf32>,
      %parallel_loop3A_209 = vector.shape_cast %parallel_loop3A_208 : vector<1x1x16xf32> to vector<16xf32>
      %parallel_loop3A_210 = arith.constant 0 : i32
      %parallel_loop3A_211 = arith.constant 27 : i32
      %parallel_loop3A_212 = arith.constant 0 : i32
      %parallel_loop3A_213 = arith.constant 0 : i32
      %parallel_loop3A_214 = tpu.memref_slice %arg5[%parallel_loop3A_210, %parallel_loop3A_212, %parallel_loop3A_213] : memref<2x32x768xf32, #tpu.memory_space<vmem>> -> memref<1x32x768xf32, #tpu.memory_space<vmem>>
      %parallel_loop3A_215 = tpu.memref_squeeze %parallel_loop3A_214 : memref<1x32x768xf32, #tpu.memory_space<vmem>> -> memref<32x768xf32, #tpu.memory_space<vmem>>
      %parallel_loop3A_216 = arith.constant 0 : i32
      %parallel_loop3A_217 = tpu.memref_slice %parallel_loop3A_215[%parallel_loop3A_211, %parallel_loop3A_216] : memref<32x768xf32, #tpu.memory_space<vmem>> -> memref<1x768xf32, #tpu.memory_space<vmem>>
      %parallel_loop3A_218 = tpu.memref_squeeze %parallel_loop3A_217 : memref<1x768xf32, #tpu.memory_space<vmem>> -> memref<768xf32, #tpu.memory_space<vmem>>
      %parallel_loop3A_219 = arith.index_cast %parallel_loop3A_202 : i32 to index
      %parallel_loop3A_220 = tpu.vector_load %parallel_loop3A_218[%parallel_loop3A_219] {strides = array<i32>} : memref<768xf32, #tpu.memory_space<vmem>>, vector<16xf32>,
      %parallel_loop3A_221 = vector.shape_cast %parallel_loop3A_220 : vector<16xf32> to vector<16xf32>
      %parallel_loop3A_222 = vector.shape_cast %parallel_loop3A_209 : vector<16xf32> to vector<16xf32>
      tpu.vector_store %parallel_loop3A_218[%parallel_loop3A_219], %parallel_loop3A_222 {add = true, strides = array<i32>} : memref<768xf32, #tpu.memory_space<vmem>>, vector<16xf32>,
    } {sc.loop_unroll_factor = 8 : i64, sc.parallel_access}
    %parallel_loop3A_162 = arith.constant 0 : i32
    %parallel_loop3A_163 = arith.constant 768 : i32
    %parallel_loop3A_164 = arith.constant 16 : i32
    scf.for %parallel_loop3A_202 = %parallel_loop3A_162 to %parallel_loop3A_163 step %parallel_loop3A_164  : i32 {
      %parallel_loop3A_203 = arith.constant 0 : i32
      %parallel_loop3A_204 = arith.constant 28 : i32
      %parallel_loop3A_205 = arith.index_cast %parallel_loop3A_203 : i32 to index
      %parallel_loop3A_206 = arith.index_cast %parallel_loop3A_204 : i32 to index
      %parallel_loop3A_207 = arith.index_cast %parallel_loop3A_202 : i32 to index
      %parallel_loop3A_208 = tpu.vector_load %arg6[%parallel_loop3A_205, %parallel_loop3A_206, %parallel_loop3A_207] {strides = array<i32>} : memref<2x32x768xf32, #tpu.memory_space<vmem>>, vector<1x1x16xf32>,
      %parallel_loop3A_209 = vector.shape_cast %parallel_loop3A_208 : vector<1x1x16xf32> to vector<16xf32>
      %parallel_loop3A_210 = arith.constant 0 : i32
      %parallel_loop3A_211 = arith.constant 28 : i32
      %parallel_loop3A_212 = arith.constant 0 : i32
      %parallel_loop3A_213 = arith.constant 0 : i32
      %parallel_loop3A_214 = tpu.memref_slice %arg5[%parallel_loop3A_210, %parallel_loop3A_212, %parallel_loop3A_213] : memref<2x32x768xf32, #tpu.memory_space<vmem>> -> memref<1x32x768xf32, #tpu.memory_space<vmem>>
      %parallel_loop3A_215 = tpu.memref_squeeze %parallel_loop3A_214 : memref<1x32x768xf32, #tpu.memory_space<vmem>> -> memref<32x768xf32, #tpu.memory_space<vmem>>
      %parallel_loop3A_216 = arith.constant 0 : i32
      %parallel_loop3A_217 = tpu.memref_slice %parallel_loop3A_215[%parallel_loop3A_211, %parallel_loop3A_216] : memref<32x768xf32, #tpu.memory_space<vmem>> -> memref<1x768xf32, #tpu.memory_space<vmem>>
      %parallel_loop3A_218 = tpu.memref_squeeze %parallel_loop3A_217 : memref<1x768xf32, #tpu.memory_space<vmem>> -> memref<768xf32, #tpu.memory_space<vmem>>
      %parallel_loop3A_219 = arith.index_cast %parallel_loop3A_202 : i32 to index
      %parallel_loop3A_220 = tpu.vector_load %parallel_loop3A_218[%parallel_loop3A_219] {strides = array<i32>} : memref<768xf32, #tpu.memory_space<vmem>>, vector<16xf32>,
      %parallel_loop3A_221 = vector.shape_cast %parallel_loop3A_220 : vector<16xf32> to vector<16xf32>
      %parallel_loop3A_222 = vector.shape_cast %parallel_loop3A_209 : vector<16xf32> to vector<16xf32>
      tpu.vector_store %parallel_loop3A_218[%parallel_loop3A_219], %parallel_loop3A_222 {add = true, strides = array<i32>} : memref<768xf32, #tpu.memory_space<vmem>>, vector<16xf32>,
    } {sc.loop_unroll_factor = 8 : i64, sc.parallel_access}
    %parallel_loop3A_165 = arith.constant 0 : i32
    %parallel_loop3A_166 = arith.constant 768 : i32
    %parallel_loop3A_167 = arith.constant 16 : i32
    scf.for %parallel_loop3A_202 = %parallel_loop3A_165 to %parallel_loop3A_166 step %parallel_loop3A_167  : i32 {
      %parallel_loop3A_203 = arith.constant 0 : i32
      %parallel_loop3A_204 = arith.constant 29 : i32
      %parallel_loop3A_205 = arith.index_cast %parallel_loop3A_203 : i32 to index
      %parallel_loop3A_206 = arith.index_cast %parallel_loop3A_204 : i32 to index
      %parallel_loop3A_207 = arith.index_cast %parallel_loop3A_202 : i32 to index
      %parallel_loop3A_208 = tpu.vector_load %arg6[%parallel_loop3A_205, %parallel_loop3A_206, %parallel_loop3A_207] {strides = array<i32>} : memref<2x32x768xf32, #tpu.memory_space<vmem>>, vector<1x1x16xf32>,
      %parallel_loop3A_209 = vector.shape_cast %parallel_loop3A_208 : vector<1x1x16xf32> to vector<16xf32>
      %parallel_loop3A_210 = arith.constant 0 : i32
      %parallel_loop3A_211 = arith.constant 29 : i32
      %parallel_loop3A_212 = arith.constant 0 : i32
      %parallel_loop3A_213 = arith.constant 0 : i32
      %parallel_loop3A_214 = tpu.memref_slice %arg5[%parallel_loop3A_210, %parallel_loop3A_212, %parallel_loop3A_213] : memref<2x32x768xf32, #tpu.memory_space<vmem>> -> memref<1x32x768xf32, #tpu.memory_space<vmem>>
      %parallel_loop3A_215 = tpu.memref_squeeze %parallel_loop3A_214 : memref<1x32x768xf32, #tpu.memory_space<vmem>> -> memref<32x768xf32, #tpu.memory_space<vmem>>
      %parallel_loop3A_216 = arith.constant 0 : i32
      %parallel_loop3A_217 = tpu.memref_slice %parallel_loop3A_215[%parallel_loop3A_211, %parallel_loop3A_216] : memref<32x768xf32, #tpu.memory_space<vmem>> -> memref<1x768xf32, #tpu.memory_space<vmem>>
      %parallel_loop3A_218 = tpu.memref_squeeze %parallel_loop3A_217 : memref<1x768xf32, #tpu.memory_space<vmem>> -> memref<768xf32, #tpu.memory_space<vmem>>
      %parallel_loop3A_219 = arith.index_cast %parallel_loop3A_202 : i32 to index
      %parallel_loop3A_220 = tpu.vector_load %parallel_loop3A_218[%parallel_loop3A_219] {strides = array<i32>} : memref<768xf32, #tpu.memory_space<vmem>>, vector<16xf32>,
      %parallel_loop3A_221 = vector.shape_cast %parallel_loop3A_220 : vector<16xf32> to vector<16xf32>
      %parallel_loop3A_222 = vector.shape_cast %parallel_loop3A_209 : vector<16xf32> to vector<16xf32>
      tpu.vector_store %parallel_loop3A_218[%parallel_loop3A_219], %parallel_loop3A_222 {add = true, strides = array<i32>} : memref<768xf32, #tpu.memory_space<vmem>>, vector<16xf32>,
    } {sc.loop_unroll_factor = 8 : i64, sc.parallel_access}
    %parallel_loop3A_168 = arith.constant 0 : i32
    %parallel_loop3A_169 = arith.constant 768 : i32
    %parallel_loop3A_170 = arith.constant 16 : i32
    scf.for %parallel_loop3A_202 = %parallel_loop3A_168 to %parallel_loop3A_169 step %parallel_loop3A_170  : i32 {
      %parallel_loop3A_203 = arith.constant 0 : i32
      %parallel_loop3A_204 = arith.constant 30 : i32
      %parallel_loop3A_205 = arith.index_cast %parallel_loop3A_203 : i32 to index
      %parallel_loop3A_206 = arith.index_cast %parallel_loop3A_204 : i32 to index
      %parallel_loop3A_207 = arith.index_cast %parallel_loop3A_202 : i32 to index
      %parallel_loop3A_208 = tpu.vector_load %arg6[%parallel_loop3A_205, %parallel_loop3A_206, %parallel_loop3A_207] {strides = array<i32>} : memref<2x32x768xf32, #tpu.memory_space<vmem>>, vector<1x1x16xf32>,
      %parallel_loop3A_209 = vector.shape_cast %parallel_loop3A_208 : vector<1x1x16xf32> to vector<16xf32>
      %parallel_loop3A_210 = arith.constant 0 : i32
      %parallel_loop3A_211 = arith.constant 30 : i32
      %parallel_loop3A_212 = arith.constant 0 : i32
      %parallel_loop3A_213 = arith.constant 0 : i32
      %parallel_loop3A_214 = tpu.memref_slice %arg5[%parallel_loop3A_210, %parallel_loop3A_212, %parallel_loop3A_213] : memref<2x32x768xf32, #tpu.memory_space<vmem>> -> memref<1x32x768xf32, #tpu.memory_space<vmem>>
      %parallel_loop3A_215 = tpu.memref_squeeze %parallel_loop3A_214 : memref<1x32x768xf32, #tpu.memory_space<vmem>> -> memref<32x768xf32, #tpu.memory_space<vmem>>
      %parallel_loop3A_216 = arith.constant 0 : i32
      %parallel_loop3A_217 = tpu.memref_slice %parallel_loop3A_215[%parallel_loop3A_211, %parallel_loop3A_216] : memref<32x768xf32, #tpu.memory_space<vmem>> -> memref<1x768xf32, #tpu.memory_space<vmem>>
      %parallel_loop3A_218 = tpu.memref_squeeze %parallel_loop3A_217 : memref<1x768xf32, #tpu.memory_space<vmem>> -> memref<768xf32, #tpu.memory_space<vmem>>
      %parallel_loop3A_219 = arith.index_cast %parallel_loop3A_202 : i32 to index
      %parallel_loop3A_220 = tpu.vector_load %parallel_loop3A_218[%parallel_loop3A_219] {strides = array<i32>} : memref<768xf32, #tpu.memory_space<vmem>>, vector<16xf32>,
      %parallel_loop3A_221 = vector.shape_cast %parallel_loop3A_220 : vector<16xf32> to vector<16xf32>
      %parallel_loop3A_222 = vector.shape_cast %parallel_loop3A_209 : vector<16xf32> to vector<16xf32>
      tpu.vector_store %parallel_loop3A_218[%parallel_loop3A_219], %parallel_loop3A_222 {add = true, strides = array<i32>} : memref<768xf32, #tpu.memory_space<vmem>>, vector<16xf32>,
    } {sc.loop_unroll_factor = 8 : i64, sc.parallel_access}
    %parallel_loop3A_171 = arith.constant 0 : i32
    %parallel_loop3A_172 = arith.constant 768 : i32
    %parallel_loop3A_173 = arith.constant 16 : i32
    scf.for %parallel_loop3A_202 = %parallel_loop3A_171 to %parallel_loop3A_172 step %parallel_loop3A_173  : i32 {
      %parallel_loop3A_203 = arith.constant 0 : i32
      %parallel_loop3A_204 = arith.constant 31 : i32
      %parallel_loop3A_205 = arith.index_cast %parallel_loop3A_203 : i32 to index
      %parallel_loop3A_206 = arith.index_cast %parallel_loop3A_204 : i32 to index
      %parallel_loop3A_207 = arith.index_cast %parallel_loop3A_202 : i32 to index
      %parallel_loop3A_208 = tpu.vector_load %arg6[%parallel_loop3A_205, %parallel_loop3A_206, %parallel_loop3A_207] {strides = array<i32>} : memref<2x32x768xf32, #tpu.memory_space<vmem>>, vector<1x1x16xf32>,
      %parallel_loop3A_209 = vector.shape_cast %parallel_loop3A_208 : vector<1x1x16xf32> to vector<16xf32>
      %parallel_loop3A_210 = arith.constant 0 : i32
      %parallel_loop3A_211 = arith.constant 31 : i32
      %parallel_loop3A_212 = arith.constant 0 : i32
      %parallel_loop3A_213 = arith.constant 0 : i32
      %parallel_loop3A_214 = tpu.memref_slice %arg5[%parallel_loop3A_210, %parallel_loop3A_212, %parallel_loop3A_213] : memref<2x32x768xf32, #tpu.memory_space<vmem>> -> memref<1x32x768xf32, #tpu.memory_space<vmem>>
      %parallel_loop3A_215 = tpu.memref_squeeze %parallel_loop3A_214 : memref<1x32x768xf32, #tpu.memory_space<vmem>> -> memref<32x768xf32, #tpu.memory_space<vmem>>
      %parallel_loop3A_216 = arith.constant 0 : i32
      %parallel_loop3A_217 = tpu.memref_slice %parallel_loop3A_215[%parallel_loop3A_211, %parallel_loop3A_216] : memref<32x768xf32, #tpu.memory_space<vmem>> -> memref<1x768xf32, #tpu.memory_space<vmem>>
      %parallel_loop3A_218 = tpu.memref_squeeze %parallel_loop3A_217 : memref<1x768xf32, #tpu.memory_space<vmem>> -> memref<768xf32, #tpu.memory_space<vmem>>
      %parallel_loop3A_219 = arith.index_cast %parallel_loop3A_202 : i32 to index
      %parallel_loop3A_220 = tpu.vector_load %parallel_loop3A_218[%parallel_loop3A_219] {strides = array<i32>} : memref<768xf32, #tpu.memory_space<vmem>>, vector<16xf32>,
      %parallel_loop3A_221 = vector.shape_cast %parallel_loop3A_220 : vector<16xf32> to vector<16xf32>
      %parallel_loop3A_222 = vector.shape_cast %parallel_loop3A_209 : vector<16xf32> to vector<16xf32>
      tpu.vector_store %parallel_loop3A_218[%parallel_loop3A_219], %parallel_loop3A_222 {add = true, strides = array<i32>} : memref<768xf32, #tpu.memory_space<vmem>>, vector<16xf32>,
    } {sc.loop_unroll_factor = 8 : i64, sc.parallel_access}
    %add3A_174 = arith.constant 0 : i32
    %add3A_175 = arith.addi %mul3A_6, %add3A_174 : i32
    %dma_start3A_176 = arith.constant 0 : i32
    %dma_start3A_177 = arith.constant 0 : i32
    %dma_start3A_178 = arith.constant 0 : i32
    %dma_start3A_179 = tpu.memref_slice %arg5[%dma_start3A_176, %dma_start3A_177, %dma_start3A_178] : memref<2x32x768xf32, #tpu.memory_space<vmem>> -> memref<1x32x768xf32, #tpu.memory_space<vmem>>
    %dma_start3A_180 = tpu.memref_squeeze %dma_start3A_179 : memref<1x32x768xf32, #tpu.memory_space<vmem>> -> memref<32x768xf32, #tpu.memory_space<vmem>>
    %dma_start3A_181 = arith.constant 0 : i32
    %dma_start3A_182 = tpu.memref_slice %arg4[%add3A_175, %dma_start3A_181] : memref<1024x768xf32, #tpu.memory_space<hbm>> -> memref<32x768xf32, #tpu.memory_space<hbm>>
    %dma_start3A_183 = arith.constant 0 : i32
    %dma_start3A_184 = tpu.memref_slice %arg4[%add3A_175, %dma_start3A_183] : memref<1024x768xf32, #tpu.memory_space<hbm>> -> memref<32x768xf32, #tpu.memory_space<hbm>>
    %dma_start3A_185 = arith.constant 0 : i32
    %dma_start3A_186 = arith.constant 0 : i32
    %dma_start3A_187 = tpu.memref_slice %arg5[%dma_start3A_176, %dma_start3A_185, %dma_start3A_186] : memref<2x32x768xf32, #tpu.memory_space<vmem>> -> memref<1x32x768xf32, #tpu.memory_space<vmem>>
    %dma_start3A_188 = tpu.memref_squeeze %dma_start3A_187 : memref<1x32x768xf32, #tpu.memory_space<vmem>> -> memref<32x768xf32, #tpu.memory_space<vmem>>
    tpu.enqueue_dma source(%dma_start3A_188 : memref<32x768xf32, #tpu.memory_space<vmem>>) target(%dma_start3A_184 : memref<32x768xf32, #tpu.memory_space<hbm>>) target_semaphore(%arg8 : memref<!tpu.dma_semaphore, #tpu.memory_space<semaphore_mem>>)
    %dma_wait3A_189 = arith.constant 0 : i32
    %dma_wait3A_190 = arith.constant 0 : i32
    %dma_wait3A_191 = arith.constant 0 : i32
    %dma_wait3A_192 = tpu.memref_slice %arg5[%dma_wait3A_189, %dma_wait3A_190, %dma_wait3A_191] : memref<2x32x768xf32, #tpu.memory_space<vmem>> -> memref<1x32x768xf32, #tpu.memory_space<vmem>>
    %dma_wait3A_193 = tpu.memref_squeeze %dma_wait3A_192 : memref<1x32x768xf32, #tpu.memory_space<vmem>> -> memref<32x768xf32, #tpu.memory_space<vmem>>
    %dma_wait3A_194 = arith.constant 0 : i32
    %dma_wait3A_195 = tpu.memref_slice %arg4[%add3A_175, %dma_wait3A_194] : memref<1024x768xf32, #tpu.memory_space<hbm>> -> memref<32x768xf32, #tpu.memory_space<hbm>>
    %dma_wait3A_196 = arith.constant 0 : i32
    %dma_wait3A_197 = tpu.memref_slice %arg4[%add3A_175, %dma_wait3A_196] : memref<1024x768xf32, #tpu.memory_space<hbm>> -> memref<32x768xf32, #tpu.memory_space<hbm>>
    %dma_wait3A_198 = arith.constant 0 : i32
    %dma_wait3A_199 = arith.constant 0 : i32
    %dma_wait3A_200 = tpu.memref_slice %arg5[%dma_wait3A_189, %dma_wait3A_198, %dma_wait3A_199] : memref<2x32x768xf32, #tpu.memory_space<vmem>> -> memref<1x32x768xf32, #tpu.memory_space<vmem>>
    %dma_wait3A_201 = tpu.memref_squeeze %dma_wait3A_200 : memref<1x32x768xf32, #tpu.memory_space<vmem>> -> memref<32x768xf32, #tpu.memory_space<vmem>>
    tpu.wait_dma2 semaphore(%arg8 : memref<!tpu.dma_semaphore, #tpu.memory_space<semaphore_mem>>) src(%dma_wait3A_201 : memref<32x768xf32, #tpu.memory_space<vmem>>) dst(%dma_wait3A_197 : memref<32x768xf32, #tpu.memory_space<hbm>>)
    return
  }
}

module attributes {stable_mosaic.version = 14 : i64} {
  func.func @_tc_body(%arg0: i32, %arg1: memref<1x1024x768xf32, #tpu.memory_space<vmem>>, %arg2: memref<2048x768xf32, #tpu.memory_space<vmem>>, %arg3: memref<1x1024x768xf32, #tpu.memory_space<vmem>>) attributes {dimension_semantics = [#tpu.dimension_semantics<arbitrary>], iteration_bounds = array<i64: 7>, scalar_prefetch = 0 : i64, scratch_operands = 0 : i64, tpu.core_type = #tpu.core_type<tc>, window_params = [{transform_indices = @transform_0, window_bounds = array<i64: 1, 1024, 768>}, {pipeline_mode = #tpu.pipeline_mode<synchronous>, transform_indices = @transform_1, window_bounds = array<i64: 2048, 768>}, {transform_indices = @transform_2, window_bounds = array<i64: 1, 1024, 768>}]} {
    %jit3A = arith.constant 2 : i32
    %eq3A = arith.constant 0 : i32
    %eq3A_0 = arith.cmpi eq, %jit3A, %eq3A : i32
    %jit3A_1 = arith.constant 1 : i32
    %select_n3A = arith.select %eq3A_0, %jit3A_1, %jit3A : i32
    %rem3A = arith.remsi %arg0, %select_n3A : i32
    %ne3A = arith.constant 0 : i32
    %ne3A_2 = arith.cmpi ne, %rem3A, %ne3A : i32
    %lt3A = arith.constant 0 : i32
    %lt3A_3 = arith.cmpi slt, %rem3A, %lt3A : i32
    %lt3A_4 = arith.constant 0 : i32
    %lt3A_5 = arith.cmpi slt, %select_n3A, %lt3A_4 : i32
    %ne3A_6 = arith.xori %lt3A_3, %lt3A_5 : i1
    %and3A = arith.andi %ne3A_6, %ne3A_2 : i1
    %add3A = arith.addi %rem3A, %select_n3A : i32
    %select_n3A_7 = arith.select %and3A, %add3A, %rem3A : i32
    %mul3A = arith.constant 1024 : i32
    %mul3A_8 = arith.muli %select_n3A_7, %mul3A : i32
    %get3A = arith.constant 0 : index
    %get3A_9 = arith.constant 0 : index
    %get3A_10 = arith.constant 0 : index
    %get3A_11 = vector.load %arg1[%get3A, %get3A_9, %get3A_10] : memref<1x1024x768xf32, #tpu.memory_space<vmem>>, vector<1x1024x768xf32>
    %get3A_12 = vector.shape_cast %get3A_11 : vector<1x1024x768xf32> to vector<1024x768xf32>
    %get3A_13 = arith.index_cast %mul3A_8 : i32 to index
    %get3A_14 = arith.constant 0 : index
    %get3A_15 = vector.load %arg2[%get3A_13, %get3A_14] : memref<2048x768xf32, #tpu.memory_space<vmem>>, vector<1024x768xf32>
    %add3A_16 = arith.addf %get3A_12, %get3A_15 : vector<1024x768xf32>
    %swap3A = arith.constant 0 : index
    %swap3A_17 = arith.constant 0 : index
    %swap3A_18 = arith.constant 0 : index
    %swap3A_19 = vector.load %arg3[%swap3A, %swap3A_17, %swap3A_18] : memref<1x1024x768xf32, #tpu.memory_space<vmem>>, vector<1x1024x768xf32>
    %swap3A_20 = vector.shape_cast %swap3A_19 : vector<1x1024x768xf32> to vector<1024x768xf32>
    %swap3A_21 = vector.shape_cast %add3A_16 : vector<1024x768xf32> to vector<1x1024x768xf32>
    tpu.vector_store %arg3[%swap3A, %swap3A_17, %swap3A_18], %swap3A_21 {strides = array<i32>} : memref<1x1024x768xf32, #tpu.memory_space<vmem>>, vector<1x1024x768xf32>,
    return
  }
  func.func @transform_0(%arg0: i32) -> (i32, i32, i32) {
    %jit3A = arith.constant 2 : i32
    %div3A = arith.divsi %arg0, %jit3A : i32
    %sign3A = arith.constant 0 : i32
    %sign3A_0 = arith.cmpi sgt, %arg0, %sign3A : i32
    %sign3A_1 = arith.extui %sign3A_0 : i1 to i32
    %sign3A_2 = arith.constant 0 : i32
    %sign3A_3 = arith.cmpi slt, %arg0, %sign3A_2 : i32
    %sign3A_4 = arith.extui %sign3A_3 : i1 to i32
    %sign3A_5 = arith.subi %sign3A_1, %sign3A_4 : i32
    %sign3A_6 = arith.constant 0 : i32
    %sign3A_7 = arith.cmpi sgt, %jit3A, %sign3A_6 : i32
    %sign3A_8 = arith.extui %sign3A_7 : i1 to i32
    %sign3A_9 = arith.constant 0 : i32
    %sign3A_10 = arith.cmpi slt, %jit3A, %sign3A_9 : i32
    %sign3A_11 = arith.extui %sign3A_10 : i1 to i32
    %sign3A_12 = arith.subi %sign3A_8, %sign3A_11 : i32
    %ne3A = arith.cmpi ne, %sign3A_5, %sign3A_12 : i32
    %rem3A = arith.remsi %arg0, %jit3A : i32
    %ne3A_13 = arith.constant 0 : i32
    %ne3A_14 = arith.cmpi ne, %rem3A, %ne3A_13 : i32
    %and3A = arith.andi %ne3A, %ne3A_14 : i1
    %sub3A = arith.constant 1 : i32
    %sub3A_15 = arith.subi %div3A, %sub3A : i32
    %select_n3A = arith.select %and3A, %sub3A_15, %div3A : i32
    %jit3A_16 = arith.constant 2 : i32
    %eq3A = arith.constant 0 : i32
    %eq3A_17 = arith.cmpi eq, %jit3A_16, %eq3A : i32
    %jit3A_18 = arith.constant 1 : i32
    %select_n3A_19 = arith.select %eq3A_17, %jit3A_18, %jit3A_16 : i32
    %rem3A_20 = arith.remsi %arg0, %select_n3A_19 : i32
    %ne3A_21 = arith.constant 0 : i32
    %ne3A_22 = arith.cmpi ne, %rem3A_20, %ne3A_21 : i32
    %lt3A = arith.constant 0 : i32
    %lt3A_23 = arith.cmpi slt, %rem3A_20, %lt3A : i32
    %lt3A_24 = arith.constant 0 : i32
    %lt3A_25 = arith.cmpi slt, %select_n3A_19, %lt3A_24 : i32
    %ne3A_26 = arith.xori %lt3A_23, %lt3A_25 : i1
    %and3A_27 = arith.andi %ne3A_26, %ne3A_22 : i1
    %add3A = arith.addi %rem3A_20, %select_n3A_19 : i32
    %select_n3A_28 = arith.select %and3A_27, %add3A, %rem3A_20 : i32
    %c0_i32 = arith.constant 0 : i32
    %c0_i32_29 = arith.constant 0 : i32
    return %select_n3A, %select_n3A_28, %c0_i32 : i32, i32, i32
  }
  func.func @transform_1(%arg0: i32) -> (i32, i32) {
    %c0_i32 = arith.constant 0 : i32
    %c0_i32_0 = arith.constant 0 : i32
    %c0_i32_1 = arith.constant 0 : i32
    return %c0_i32, %c0_i32_0 : i32, i32
  }
  func.func @transform_2(%arg0: i32) -> (i32, i32, i32) {
    %jit3A = arith.constant 2 : i32
    %div3A = arith.divsi %arg0, %jit3A : i32
    %sign3A = arith.constant 0 : i32
    %sign3A_0 = arith.cmpi sgt, %arg0, %sign3A : i32
    %sign3A_1 = arith.extui %sign3A_0 : i1 to i32
    %sign3A_2 = arith.constant 0 : i32
    %sign3A_3 = arith.cmpi slt, %arg0, %sign3A_2 : i32
    %sign3A_4 = arith.extui %sign3A_3 : i1 to i32
    %sign3A_5 = arith.subi %sign3A_1, %sign3A_4 : i32
    %sign3A_6 = arith.constant 0 : i32
    %sign3A_7 = arith.cmpi sgt, %jit3A, %sign3A_6 : i32
    %sign3A_8 = arith.extui %sign3A_7 : i1 to i32
    %sign3A_9 = arith.constant 0 : i32
    %sign3A_10 = arith.cmpi slt, %jit3A, %sign3A_9 : i32
    %sign3A_11 = arith.extui %sign3A_10 : i1 to i32
    %sign3A_12 = arith.subi %sign3A_8, %sign3A_11 : i32
    %ne3A = arith.cmpi ne, %sign3A_5, %sign3A_12 : i32
    %rem3A = arith.remsi %arg0, %jit3A : i32
    %ne3A_13 = arith.constant 0 : i32
    %ne3A_14 = arith.cmpi ne, %rem3A, %ne3A_13 : i32
    %and3A = arith.andi %ne3A, %ne3A_14 : i1
    %sub3A = arith.constant 1 : i32
    %sub3A_15 = arith.subi %div3A, %sub3A : i32
    %select_n3A = arith.select %and3A, %sub3A_15, %div3A : i32
    %jit3A_16 = arith.constant 2 : i32
    %eq3A = arith.constant 0 : i32
    %eq3A_17 = arith.cmpi eq, %jit3A_16, %eq3A : i32
    %jit3A_18 = arith.constant 1 : i32
    %select_n3A_19 = arith.select %eq3A_17, %jit3A_18, %jit3A_16 : i32
    %rem3A_20 = arith.remsi %arg0, %select_n3A_19 : i32
    %ne3A_21 = arith.constant 0 : i32
    %ne3A_22 = arith.cmpi ne, %rem3A_20, %ne3A_21 : i32
    %lt3A = arith.constant 0 : i32
    %lt3A_23 = arith.cmpi slt, %rem3A_20, %lt3A : i32
    %lt3A_24 = arith.constant 0 : i32
    %lt3A_25 = arith.cmpi slt, %select_n3A_19, %lt3A_24 : i32
    %ne3A_26 = arith.xori %lt3A_23, %lt3A_25 : i1
    %and3A_27 = arith.andi %ne3A_26, %ne3A_22 : i1
    %add3A = arith.addi %rem3A_20, %select_n3A_19 : i32
    %select_n3A_28 = arith.select %and3A_27, %add3A, %rem3A_20 : i32
    %c0_i32 = arith.constant 0 : i32
    %c0_i32_29 = arith.constant 0 : i32
    return %select_n3A, %select_n3A_28, %c0_i32 : i32, i32, i32
  }
}

</mosaic_0001>

<sc_bundles>
// kernel: kernel.4.cloned.1.call-start
scs
__scs_entry_jumppad:
0x0: {  	(pc) =	sbr.rel $0x88, $3  }
0x1: {  	(tag) =	ssettag $0x0;
	lr =	simm.s32 $0x1  }
0x2: {  	[smem:$0x3F9F] =	sst lr;
	_ =	strace $0xD0000000  }
0x3: {  	_ = 	snop  }
0x4: {  	_ = 	snop  }
0x5: {  	_ = 	snop  }
0x6: {  	_ = 	snop  }
0x7: {  	_ = 	snop  }
__scs_overlays_trampoline_lowered:
0x8: {  	[smem:$0x3FAE] =	sst s0  }
0x9: {  	[smem:$0x3FAF] =	sst s1  }
0xa: {  	[smem:$0x3FB0] =	sst s2  }
0xb: {  	[smem:$0x3FB1] =	sst s3  }
0xc: {  	[smem:$0x3FB2] =	sst s4  }
0xd: {  	[smem:$0x3FB3] =	sst s5  }
0xe: {  	[smem:$0x3FB4] =	sst s6  }
0xf: {  	[smem:$0x3FB5] =	sst s7  }
0x10: {  	[smem:$0x3FB6] =	sst s8  }
0x11: {  	[smem:$0x3FB7] =	sst s9;
	s0 =	simm.s32 @!p0 $0x0  }
0x12: {  	s1 =	sld [smem:$0x3F9D];
	s0 =	simm.s32 @p0 $0x1  }
0x13: {  	[smem:$0x3FB8] =	sst s0;
	s0 =	simm.s32 @!p1 $0x0  }
0x14: {  	s2 =	sld [smem:$0x3F9C];
	s0 =	simm.s32 @p1 $0x1  }
0x15: {  	[smem:$0x3FB9] =	sst s0;
	s0 =	simm.s32 @!p2 $0x0  }
0x16: {  	s3 =	sld [smem:$0x3FDB];
	s0 =	simm.s32 @p2 $0x1  }
0x17: {  	s4 =	simm.s32 $0x1BF5;
	[smem:$0x3FBB] =	sst s0  }
0x18: {  	s0 =	sld [smem:$0x3F9E];
	_ =	swait.ge [sflag:s4], $0x0  }
0x19: {  	s7 =	sld [smem:$0x3F9F]  }
0x1a: {  	s8 =	sadd.s32 $0xFFFFE003, lr  }
0x1b: {  	s9 =	sadd.s32 $0xFFFFFEF7, lr;
	s5 =	simm.s32 $0xFFFFFFFF;
	p2 =	slt.u32 s8, $0xFFFFF086  }
0x1c: {  	p1 =	slt.u32 s9, $0xF7A;
	s5 =	simm.s32 @!p2 $0x0  }
0x1d: {  	s5 =	simm.s32 @p1 $0x1;
	p0 =	seq.s32 s7, s2  }
0x1e: {  	s7 =	smul.u32 @!p0 $0xF7A, s2;
	p2 =	seq.s32 @!p0 s5, $0x0  }
0x1f: {  	s9 =	smul.u32 $0xF7A, s1;
	s8 =	simm.s32 @!p0 $0x1BF5;
	p2 =	por !p2, p0  }
0x20: {  	[sflag:s8] =	ssyncset.s32 @!p0 $0xFFFFF086;
	s6 =	sadd.s32 @!p0 s3, s7;
	s7 =	simm.s32 @!p0 $0x108  }
0x21: {  	s3 =	sadd.s32 s3, s9;
	s6 =	sadd.s32 @!p0 $0x88, s6;
	s7 =	simm.s32 @p2 $0x1082  }
0x22: {  	[simem:s7], [sflag:s8] =	dma.local @!p0 [hbm:s6], $0xF7A  }
0x23: {  	s9 =	sor.u32 $0xD0000000, s2;
	s6 =	simm.s32 $0x108;
	_ =	swait.ge @!p0 [sflag:s8], $0x0  }
0x24: {  	s3 =	sadd.s32 $0x88, s3;
	s6 =	simm.s32 @!p1 $0x1082;
	[sflag:s4] =	ssyncset.s32 $0xFFFFF086  }
0x25: {  	[simem:s6], [sflag:s4] =	dma.local [hbm:s3], $0xF7A  }
0x26: {  	[smem:$0x3F9F] =	sst s1;
	(tag) =	ssettag s2;
	_ =	strace s9  }
0x27: {  	s1 =	sld [smem:$0x3FAF]  }
0x28: {  	s2 =	sld [smem:$0x3FB0]  }
0x29: {  	s4 =	sld [smem:$0x3FB2]  }
0x2a: {  	p0 =	seq.s32 s5, $0x0;
	s5 =	sld [smem:$0x3FB3]  }
0x2b: {  	s6 =	sld [smem:$0x3FB4]  }
0x2c: {  	s7 =	sld [smem:$0x3FB5]  }
0x2d: {  	s3 =	simm.s32 $0x108;
	s8 =	sld [smem:$0x3FB6]  }
0x2e: {  	s3 =	simm.s32 @!p0 $0x1082;
	s9 =	sld [smem:$0x3FB7]  }
0x2f: {  	lr =	sadd.s32 s0, s3;
	s0 =	sld [smem:$0x3FAE]  }
0x30: {  	s3 =	sld [smem:$0x3FB1]  }
0x31: {  	[smem:$0x3FBA] =	sst s10  }
0x32: {  	s10 =	sld [smem:$0x3FB8];
	_ =	sdelay $0x3  }
0x33: {  	p0 =	seq.s32 s10, $0x1;
	s10 =	sld [smem:$0x3FBA];
	_ =	sdelay $0x3  }
0x34: {  	[smem:$0x3FBA] =	sst s10  }
0x35: {  	s10 =	sld [smem:$0x3FB9];
	_ =	sdelay $0x3  }
0x36: {  	p1 =	seq.s32 s10, $0x1;
	s10 =	sld [smem:$0x3FBA];
	_ =	sdelay $0x3  }
0x37: {  	[smem:$0x3FBA] =	sst s10  }
0x38: {  	s10 =	sld [smem:$0x3FBB]  }
0x39: {  	_ = 	snop;
	(pc) =	sbr.ind lr, $3  }
0x3a: {  	_ = 	snop  }
0x3b: {  	_ = 	snop  }
0x3c: {  	p2 =	seq.s32 s10, $0x1;
	s10 =	sld [smem:$0x3FBA]  }
0x3d: {  	_ =	shalt  }
0x3e: {  	_ =	shalt  }
0x3f: {  	_ =	shalt  }
0x40: {  	_ =	shalt  }
0x41: {  	_ =	shalt  }
0x42: {  	_ =	shalt  }
0x43: {  	_ =	shalt  }
0x44: {  	_ =	shalt  }
0x45: {  	_ =	shalt  }
0x46: {  	_ =	shalt  }
0x47: {  	_ =	shalt  }
0x48: {  	_ =	shalt  }
0x49: {  	_ =	shalt  }
0x4a: {  	_ =	shalt  }
0x4b: {  	_ =	shalt  }
0x4c: {  	_ =	shalt  }
0x4d: {  	_ =	shalt  }
0x4e: {  	_ =	shalt  }
0x4f: {  	_ =	shalt  }
0x50: {  	_ =	shalt  }
0x51: {  	_ =	shalt  }
0x52: {  	_ =	shalt  }
0x53: {  	_ =	shalt  }
0x54: {  	_ =	shalt  }
0x55: {  	_ =	shalt  }
0x56: {  	_ =	shalt  }
0x57: {  	_ =	shalt  }
0x58: {  	_ =	shalt  }
0x59: {  	_ =	shalt  }
0x5a: {  	_ =	shalt  }
0x5b: {  	_ =	shalt  }
0x5c: {  	_ =	shalt  }
0x5d: {  	_ =	shalt  }
0x5e: {  	_ =	shalt  }
0x5f: {  	_ =	shalt  }
0x60: {  	_ =	shalt  }
0x61: {  	_ =	shalt  }
0x62: {  	_ =	shalt  }
0x63: {  	_ =	shalt  }
0x64: {  	_ =	shalt  }
0x65: {  	_ =	shalt  }
0x66: {  	_ =	shalt  }
0x67: {  	_ =	shalt  }
0x68: {  	_ =	shalt  }
0x69: {  	_ =	shalt  }
0x6a: {  	_ =	shalt  }
0x6b: {  	_ =	shalt  }
0x6c: {  	_ =	shalt  }
0x6d: {  	_ =	shalt  }
0x6e: {  	_ =	shalt  }
0x6f: {  	_ =	shalt  }
0x70: {  	_ =	shalt  }
0x71: {  	_ =	shalt  }
0x72: {  	_ =	shalt  }
0x73: {  	_ =	shalt  }
0x74: {  	_ =	shalt  }
0x75: {  	_ =	shalt  }
0x76: {  	_ =	shalt  }
0x77: {  	_ =	shalt  }
0x78: {  	_ =	shalt  }
0x79: {  	_ =	shalt  }
0x7a: {  	_ =	shalt  }
0x7b: {  	_ =	shalt  }
0x7c: {  	_ =	shalt  }
0x7d: {  	_ =	shalt  }
0x7e: {  	_ =	shalt  }
0x7f: {  	_ =	shalt  }
0x80: {  	_ =	shalt  }
0x81: {  	_ =	shalt  }
0x82: {  	_ =	shalt  }
0x83: {  	_ =	shalt  }
0x84: {  	_ =	shalt  }
0x85: {  	_ =	shalt  }
0x86: {  	_ =	shalt  }
0x87: {  	_ =	shalt  }
.Lfunc_end0:
.L_simem_size_0:
called_computation_lowered:
.L_overlay_start_0:
0x88: {  	s2 =	sld [smem:$0x3FD9]  }
0x89: {  	s3 =	sld [smem:$0x3FFE];
	_ =	sdelay $0x1  }
0x8a: {  	s1 =	srdreg.scid  }
0x8b: {  	s0 =	sand.u32 $0x1, s1  }
0x8c: {  	s17 =	sshll.u32 s0, $0xA;
	s2 =	sadd.s32 s3, s2  }
0x8d: {  	s2 =	sadd.s32 s2, s17  }
0x8e: {  	[smem:$0x3FC6] =	sst s2  }
0x8f: {  	_ = 	snop  }
0x90: {  	s2 =	sld [smem:$0x3FC9]  }
0x91: {  	s18 =	sld [smem:$0x3FC8];
	(tm) =	ssettm $0x1  }
0x92: {  	s4 =	sld [smem:$0x3FFB];
	_ =	sdelay $0x3  }
0x93: {  	_ =	strace s4  }
0x94: {  	s4 =	sld [smem:$0x3FFC];
	_ =	sdelay $0x3  }
0x95: {  	_ =	strace s4  }
0x96: {  	s4 =	sld [smem:$0x3FFD];
	_ =	sdelay $0x3  }
0x97: {  	_ =	strace s4  }
0x98: {  	_ =	strace $0x8FFFFFFF  }
0x99: {  	s19 =	sld [smem:$0x3FDB];
	_ =	sdelay $0x1  }
0x9a: {  	s5 =	simm.s32 $_scs_section_size  }
0x9b: {  	s6 =	simm.s32 $_size__tile_overlayer_lowered;
	s7 =	simm.s32 $_tile_overlayer_lowered  }
0x9c: {  	s22 =	simm.s32 $0x1BFF;
	s21 =	sshll.u32 s7, $0x1;
	s4 =	sadd.s32 s5, s19  }
0x9d: {  	s8 =	simm.s32 $0x0;
	s20 =	sshll.u32 s6, $0x1;
	s6 =	sadd.s32 s21, s4  }
0x9e: {  	[timem:s8], [sflag:s22] =	dma.local [hbm:s6], s20  }
0x9f: {  	_ =	swait.ge [sflag:s22], s20  }
0xa0: {  	s5 =	ssub.s32 $0x0, s20;
	[sflag:s22] =	ssyncset.done $0x0  }
0xa1: {  	[sflag:s22] =	ssyncadd.s32 s5;
	_ =	sdelay $0x1  }
0xa2: {  	s23 =	simm.s32 $0x1B8B  }
0xa3: {  	_ =	swait.ge [sflag:s23], $0x1  }
0xa4: {  	[sflag:s23] =	ssyncset.done $0x0  }
0xa5: {  	s25 =	simm.s32 $0x1B8E;
	s24 =	sld [smem:$0x3FFE];
	[sflag:s23] =	ssyncadd.s32 $0xFFFFFFFF  }
0xa6: {  	s26 =	simm.s32 $execute0_lowered;
	[smem:$0x3FD2] =	sst s25  }
0xa7: {  	s6 =	sshll.u32 s26, $0x1;
	_ =	strace $0x80000046;
	[dreg:$0x1] =	wrdreg $0xFFFFFFFF  }
0xa8: {  	s28 =	simm.s32 $_size_execute0_lowered;
	s4 =	sadd.s32 s4, s6;
	[dreg:$0x0] =	wrdreg $0x0  }
0xa9: {  	s6 =	sshll.u32 s28, $0x1;
	[dreg:$0x2] =	wrdreg s4  }
0xaa: {  	[dreg:$0x3] =	wrdreg s6  }
0xab: {  	[dreg:$0x4] =	wrdreg $0xC0  }
0xac: {  	_ =	task [dreg:s8], $0x5FFFF  }
0xad: {  	[dreg:$0x1] =	wrdreg $0xFFFFFFFF  }
0xae: {  	[dreg:$0x0] =	wrdreg $0x60  }
0xaf: {  	[dreg:$0x2] =	wrdreg s2  }
0xb0: {  	[dreg:$0x3] =	wrdreg s18  }
0xb1: {  	[dreg:$0x4] =	wrdreg s24  }
0xb2: {  	[dreg:$0x5] =	wrdreg $0x9  }
0xb3: {  	_ =	task.clear_ibuf [dreg:s8], $0x6FFFF;
	_ =	strace $0x90000046  }
0xb4: {  	s29 =	simm.s32 $0x9;
	_ =	strace $0x80000048  }
0xb5: {  	_ =	swait.ge [sflag:s29], $0x1  }
0xb6: {  	[sflag:s29] =	ssyncadd.s32 $0xFFFFFFFF  }
0xb7: {  	_ =	strace $0x90000048  }
0xb8: {  	_ =	sfence  }
0xb9: {  	s30 =	sld [smem:$0x0];
	_ =	sdelay $0x2  }
0xba: {  	s31 =	sshll.u32 s1, $0xD;
	s1 =	sshrl.u32 s1, $0x2  }
0xbb: {  	s3 =	sand.u32 $0x4000, s31;
	s1 =	sadd.s32 s1, s30  }
0xbc: {  	s0 =	sor.u32 s3, s0;
	s1 =	sshll.u32 s1, $0x11  }
0xbd: {  	s0 =	sor.u32 s1, s0  }
0xbe: {  	s0 =	sadd.s32 $0x8F2B, s0  }
0xbf: {  	[sflag:s0] =	ssyncadd.remote.s32 $0x1  }
0xc0: {  	_ =	sfence.sel $0xFFFF  }
0xc1: {  	[dreg:$0x0] =	wrdreg $0xFFFFFFFF;
	(pc) =	sbr.abs _section_cstart, $3  }
0xc2: {  	[dreg:$0x1] =	wrdreg $0xFFFFFFFF  }
0xc3: {  	_ =	task.clear_ibuf [dreg:s8], $0x2FFFF;
	_ =	strace $0x9FFFFFFF  }
0xc4: {  	(tm) =	ssettm $0x7FFFFFFF  }
0xc5: {  	_ =	shalt  }
tec
execute0_lowered:
.L_overlay_start_1:
0x0: {  	(tag) =	ssettag $0x1  }
0x1: {  	s1 =	srdreg.scid  }
0x2: {  	s3 =	rddreg [dreg:$0x0];
	s0 =	stileid.u32;
	s4 =	sand.u32 $0x1, s1  }
0x3: {  	s5 =	rddreg [dreg:$0x1];
	s30 =	sshll.u32 s0, $0x3;
	s2 =	sshll.u32 s4, $0x2  }
0x4: {  	s6 =	rddreg [dreg:$0x2];
	s9 =	simm.s32 $0x2;
	s7 =	sor.u32 s2, s30  }
0x5: {  	s1 =	rddreg [dreg:$0x3];
	s2 =	simm.s32 $0x0;
	s7 =	smul.u32 $0x300, s7  }
0x6: {  	s10 =	simm.s32 $0x0;
	s4 =	ssub.s32 $0x2, s4;
	[smem:$0x7FF] =	sst s2  }
0x7: {  	s31 =	sshrl.u32 s4, $0x1;
	_ =	strace $0x80000047;
	s8 =	sadd.s32 $0x18000, s7  }
0x8: {  	s6 =	sadd.s32 s7, s6;
	s7 =	ssub.s32 s4, s31;
	s3 =	sadd.s32 s8, s3  }
0x9: {  	s4 =	sadd.s32 s5, s8;
	s5 =	sadd.s32 $0x600, s6;
	s6 =	smax.u32 s7, $0x1  }
0xa: {  	s7 =	simm.s32 $0xC000;
	s8 =	simm.s32 $0x1;
	s3 =	sadd.s32 $0x90000, s3  }
.LBB2_1:
0xb: {  	[tilespmem:s2], [sflag:$0x1] =	stream.linear.gather [hbm4b:s3+s2], $0x6000, $0x38;
	[tilespmem:$0x18000] =	vst v63  }
0xc: {  	_ = 	snop  }
0xd: {  	[tilespmem:s7], [sflag:$0x1] =	stream.linear.gather [hbm4b:s4+s2], $0x6000, $0x38;
	[tilespmem:$0x18000] =	vst v63  }
0xe: {  	_ =	swait.ge [sflag:s8], $0x6000  }
0xf: {  	[sflag:s8] =	ssyncset.done $0x0  }
0x10: {  	[sflag:s8] =	ssyncadd.s32 $0xFFFFA000  }
0x11: {  	_ =	swait.ge [sflag:s8], $0x6000  }
0x12: {  	[sflag:s8] =	ssyncset.done $0x0  }
0x13: {  	s11 =	simm.s32 $0x0;
	[sflag:s8] =	ssyncadd.s32 $0xFFFFA000  }
0x14: {  	v0 =	vld [tilespmem:s11+$0xC070]  }
0x15: {  	v1 =	vld [tilespmem:s11+$0xC000]  }
0x16: {  	v2 =	vld [tilespmem:s11+$0xC010]  }
0x17: {  	v3 =	vld [tilespmem:s11+$0xC020]  }
0x18: {  	v4 =	vld [tilespmem:s11+$0xC030]  }
0x19: {  	v5 =	vld [tilespmem:s11+$0xC040]  }
0x1a: {  	v6 =	vld [tilespmem:s11+$0xC050]  }
0x1b: {  	[tilespmem:s11+$0x70] =	vst.add.f32.msk $0xffff, v0  }
0x1c: {  	v0 =	vld [tilespmem:s11+$0xC060]  }
0x1d: {  	[tilespmem:s11+$0x0] =	vst.add.f32.msk $0xffff, v1  }
0x1e: {  	[tilespmem:s11+$0x10] =	vst.add.f32.msk $0xffff, v2  }
0x1f: {  	[tilespmem:s11+$0x20] =	vst.add.f32.msk $0xffff, v3  }
0x20: {  	[tilespmem:s11+$0x30] =	vst.add.f32.msk $0xffff, v4  }
0x21: {  	[tilespmem:s11+$0x40] =	vst.add.f32.msk $0xffff, v5  }
0x22: {  	s12 =	simm.s32 $0x0;
	s13 =	simm.s32 $0x1000;
	[tilespmem:s11+$0x50] =	vst.add.f32.msk $0xffff, v6  }
.LBB2_2:
0x23: {  	s12 =	sadd.s32 $0x80, s12;
	[tilespmem:s11+$0x60] =	vst.add.f32.msk $0xffff, v0;
	s11 =	sshra.s32 s13, $0x2  }
0x24: {  	v0 =	vld [tilespmem:s11+$0xC070];
	p0 =	slt.u32 s12, $0x280  }
0x25: {  	v1 =	vld [tilespmem:s11+$0xC000]  }
0x26: {  	v2 =	vld [tilespmem:s11+$0xC010]  }
0x27: {  	v3 =	vld [tilespmem:s11+$0xC020]  }
0x28: {  	v4 =	vld [tilespmem:s11+$0xC030]  }
0x29: {  	[tilespmem:s11+$0x70] =	vst.add.f32.msk $0xffff, v0  }
0x2a: {  	v5 =	vld [tilespmem:s11+$0xC040]  }
0x2b: {  	v6 =	vld [tilespmem:s11+$0xC050]  }
0x2c: {  	v0 =	vld [tilespmem:s11+$0xC060]  }
0x2d: {  	[tilespmem:s11+$0x0] =	vst.add.f32.msk $0xffff, v1  }
.Ltmp0:
0x2e: {  	[tilespmem:s11+$0x10] =	vst.add.f32.msk $0xffff, v2;
	(pc) =	sbr.rel @p0 .LBB2_2-.Ltmp0, $4  }
0x2f: {  	[tilespmem:s11+$0x20] =	vst.add.f32.msk $0xffff, v3  }
0x30: {  	[tilespmem:s11+$0x30] =	vst.add.f32.msk $0xffff, v4  }
0x31: {  	[tilespmem:s11+$0x40] =	vst.add.f32.msk $0xffff, v5  }
0x32: {  	s13 =	sadd.s32 $0x1000, s13;
	[tilespmem:s11+$0x50] =	vst.add.f32.msk $0xffff, v6  }
0x33: {  	[tilespmem:s11+$0x60] =	vst.add.f32.msk $0xffff, v0;
	s11 =	simm.s32 $0x0  }
0x34: {  	v0 =	vld [tilespmem:s11+$0xC0F0]  }
0x35: {  	v1 =	vld [tilespmem:s11+$0xC080]  }
0x36: {  	v2 =	vld [tilespmem:s11+$0xC090]  }
0x37: {  	v3 =	vld [tilespmem:s11+$0xC0A0]  }
0x38: {  	v4 =	vld [tilespmem:s11+$0xC0B0]  }
0x39: {  	v5 =	vld [tilespmem:s11+$0xC0C0]  }
0x3a: {  	v6 =	vld [tilespmem:s11+$0xC0D0]  }
0x3b: {  	[tilespmem:s11+$0xF0] =	vst.add.f32.msk $0xffff, v0  }
0x3c: {  	v0 =	vld [tilespmem:s11+$0xC0E0]  }
0x3d: {  	[tilespmem:s11+$0x80] =	vst.add.f32.msk $0xffff, v1  }
0x3e: {  	[tilespmem:s11+$0x90] =	vst.add.f32.msk $0xffff, v2  }
0x3f: {  	[tilespmem:s11+$0xA0] =	vst.add.f32.msk $0xffff, v3  }
0x40: {  	[tilespmem:s11+$0xB0] =	vst.add.f32.msk $0xffff, v4  }
0x41: {  	[tilespmem:s11+$0xC0] =	vst.add.f32.msk $0xffff, v5  }
0x42: {  	s12 =	simm.s32 $0x0;
	s13 =	simm.s32 $0x1000;
	[tilespmem:s11+$0xD0] =	vst.add.f32.msk $0xffff, v6  }
.LBB2_4:
0x43: {  	s12 =	sadd.s32 $0x80, s12;
	[tilespmem:s11+$0xE0] =	vst.add.f32.msk $0xffff, v0;
	s11 =	sshra.s32 s13, $0x2  }
0x44: {  	v0 =	vld [tilespmem:s11+$0xC0F0];
	p0 =	slt.u32 s12, $0x280  }
0x45: {  	v1 =	vld [tilespmem:s11+$0xC080]  }
0x46: {  	v2 =	vld [tilespmem:s11+$0xC090]  }
0x47: {  	v3 =	vld [tilespmem:s11+$0xC0A0]  }
0x48: {  	v4 =	vld [tilespmem:s11+$0xC0B0]  }
0x49: {  	[tilespmem:s11+$0xF0] =	vst.add.f32.msk $0xffff, v0  }
0x4a: {  	v5 =	vld [tilespmem:s11+$0xC0C0]  }
0x4b: {  	v6 =	vld [tilespmem:s11+$0xC0D0]  }
0x4c: {  	v0 =	vld [tilespmem:s11+$0xC0E0]  }
0x4d: {  	[tilespmem:s11+$0x80] =	vst.add.f32.msk $0xffff, v1  }
.Ltmp1:
0x4e: {  	[tilespmem:s11+$0x90] =	vst.add.f32.msk $0xffff, v2;
	(pc) =	sbr.rel @p0 .LBB2_4-.Ltmp1, $4  }
0x4f: {  	[tilespmem:s11+$0xA0] =	vst.add.f32.msk $0xffff, v3  }
0x50: {  	[tilespmem:s11+$0xB0] =	vst.add.f32.msk $0xffff, v4  }
0x51: {  	[tilespmem:s11+$0xC0] =	vst.add.f32.msk $0xffff, v5  }
0x52: {  	s13 =	sadd.s32 $0x1000, s13;
	[tilespmem:s11+$0xD0] =	vst.add.f32.msk $0xffff, v6  }
0x53: {  	[tilespmem:s11+$0xE0] =	vst.add.f32.msk $0xffff, v0;
	s11 =	simm.s32 $0x0  }
0x54: {  	v0 =	vld [tilespmem:s11+$0xC170]  }
0x55: {  	v1 =	vld [tilespmem:s11+$0xC100]  }
0x56: {  	v2 =	vld [tilespmem:s11+$0xC110]  }
0x57: {  	v3 =	vld [tilespmem:s11+$0xC120]  }
0x58: {  	v4 =	vld [tilespmem:s11+$0xC130]  }
0x59: {  	v5 =	vld [tilespmem:s11+$0xC140]  }
0x5a: {  	v6 =	vld [tilespmem:s11+$0xC150]  }
0x5b: {  	[tilespmem:s11+$0x170] =	vst.add.f32.msk $0xffff, v0  }
0x5c: {  	v0 =	vld [tilespmem:s11+$0xC160]  }
0x5d: {  	[tilespmem:s11+$0x100] =	vst.add.f32.msk $0xffff, v1  }
0x5e: {  	[tilespmem:s11+$0x110] =	vst.add.f32.msk $0xffff, v2  }
0x5f: {  	[tilespmem:s11+$0x120] =	vst.add.f32.msk $0xffff, v3  }
0x60: {  	[tilespmem:s11+$0x130] =	vst.add.f32.msk $0xffff, v4  }
0x61: {  	[tilespmem:s11+$0x140] =	vst.add.f32.msk $0xffff, v5  }
0x62: {  	s12 =	simm.s32 $0x0;
	s13 =	simm.s32 $0x1000;
	[tilespmem:s11+$0x150] =	vst.add.f32.msk $0xffff, v6  }
.LBB2_6:
0x63: {  	s12 =	sadd.s32 $0x80, s12;
	[tilespmem:s11+$0x160] =	vst.add.f32.msk $0xffff, v0;
	s11 =	sshra.s32 s13, $0x2  }
0x64: {  	v0 =	vld [tilespmem:s11+$0xC170];
	p0 =	slt.u32 s12, $0x280  }
0x65: {  	v1 =	vld [tilespmem:s11+$0xC100]  }
0x66: {  	v2 =	vld [tilespmem:s11+$0xC110]  }
0x67: {  	v3 =	vld [tilespmem:s11+$0xC120]  }
0x68: {  	v4 =	vld [tilespmem:s11+$0xC130]  }
0x69: {  	[tilespmem:s11+$0x170] =	vst.add.f32.msk $0xffff, v0  }
0x6a: {  	v5 =	vld [tilespmem:s11+$0xC140]  }
0x6b: {  	v6 =	vld [tilespmem:s11+$0xC150]  }
0x6c: {  	v0 =	vld [tilespmem:s11+$0xC160]  }
0x6d: {  	[tilespmem:s11+$0x100] =	vst.add.f32.msk $0xffff, v1  }
.Ltmp2:
0x6e: {  	[tilespmem:s11+$0x110] =	vst.add.f32.msk $0xffff, v2;
	(pc) =	sbr.rel @p0 .LBB2_6-.Ltmp2, $4  }
0x6f: {  	[tilespmem:s11+$0x120] =	vst.add.f32.msk $0xffff, v3  }
0x70: {  	[tilespmem:s11+$0x130] =	vst.add.f32.msk $0xffff, v4  }
0x71: {  	[tilespmem:s11+$0x140] =	vst.add.f32.msk $0xffff, v5  }
0x72: {  	s13 =	sadd.s32 $0x1000, s13;
	[tilespmem:s11+$0x150] =	vst.add.f32.msk $0xffff, v6  }
0x73: {  	[tilespmem:s11+$0x160] =	vst.add.f32.msk $0xffff, v0;
	s11 =	simm.s32 $0x0  }
0x74: {  	v0 =	vld [tilespmem:s11+$0xC1F0]  }
0x75: {  	v1 =	vld [tilespmem:s11+$0xC180]  }
0x76: {  	v2 =	vld [tilespmem:s11+$0xC190]  }
0x77: {  	v3 =	vld [tilespmem:s11+$0xC1A0]  }
0x78: {  	v4 =	vld [tilespmem:s11+$0xC1B0]  }
0x79: {  	v5 =	vld [tilespmem:s11+$0xC1C0]  }
0x7a: {  	v6 =	vld [tilespmem:s11+$0xC1D0]  }
0x7b: {  	[tilespmem:s11+$0x1F0] =	vst.add.f32.msk $0xffff, v0  }
0x7c: {  	v0 =	vld [tilespmem:s11+$0xC1E0]  }
0x7d: {  	[tilespmem:s11+$0x180] =	vst.add.f32.msk $0xffff, v1  }
0x7e: {  	[tilespmem:s11+$0x190] =	vst.add.f32.msk $0xffff, v2  }
0x7f: {  	[tilespmem:s11+$0x1A0] =	vst.add.f32.msk $0xffff, v3  }
0x80: {  	[tilespmem:s11+$0x1B0] =	vst.add.f32.msk $0xffff, v4  }
0x81: {  	[tilespmem:s11+$0x1C0] =	vst.add.f32.msk $0xffff, v5  }
0x82: {  	s12 =	simm.s32 $0x0;
	s13 =	simm.s32 $0x1000;
	[tilespmem:s11+$0x1D0] =	vst.add.f32.msk $0xffff, v6  }
.LBB2_8:
0x83: {  	s12 =	sadd.s32 $0x80, s12;
	[tilespmem:s11+$0x1E0] =	vst.add.f32.msk $0xffff, v0;
	s11 =	sshra.s32 s13, $0x2  }
0x84: {  	v0 =	vld [tilespmem:s11+$0xC1F0];
	p0 =	slt.u32 s12, $0x280  }
0x85: {  	v1 =	vld [tilespmem:s11+$0xC180]  }
0x86: {  	v2 =	vld [tilespmem:s11+$0xC190]  }
0x87: {  	v3 =	vld [tilespmem:s11+$0xC1A0]  }
0x88: {  	v4 =	vld [tilespmem:s11+$0xC1B0]  }
0x89: {  	[tilespmem:s11+$0x1F0] =	vst.add.f32.msk $0xffff, v0  }
0x8a: {  	v5 =	vld [tilespmem:s11+$0xC1C0]  }
0x8b: {  	v6 =	vld [tilespmem:s11+$0xC1D0]  }
0x8c: {  	v0 =	vld [tilespmem:s11+$0xC1E0]  }
0x8d: {  	[tilespmem:s11+$0x180] =	vst.add.f32.msk $0xffff, v1  }
.Ltmp3:
0x8e: {  	[tilespmem:s11+$0x190] =	vst.add.f32.msk $0xffff, v2;
	(pc) =	sbr.rel @p0 .LBB2_8-.Ltmp3, $4  }
0x8f: {  	[tilespmem:s11+$0x1A0] =	vst.add.f32.msk $0xffff, v3  }
0x90: {  	[tilespmem:s11+$0x1B0] =	vst.add.f32.msk $0xffff, v4  }
0x91: {  	[tilespmem:s11+$0x1C0] =	vst.add.f32.msk $0xffff, v5  }
0x92: {  	s13 =	sadd.s32 $0x1000, s13;
	[tilespmem:s11+$0x1D0] =	vst.add.f32.msk $0xffff, v6  }
0x93: {  	[tilespmem:s11+$0x1E0] =	vst.add.f32.msk $0xffff, v0;
	s11 =	simm.s32 $0x0  }
0x94: {  	v0 =	vld [tilespmem:s11+$0xC270]  }
0x95: {  	v1 =	vld [tilespmem:s11+$0xC200]  }
0x96: {  	v2 =	vld [tilespmem:s11+$0xC210]  }
0x97: {  	v3 =	vld [tilespmem:s11+$0xC220]  }
0x98: {  	v4 =	vld [tilespmem:s11+$0xC230]  }
0x99: {  	v5 =	vld [tilespmem:s11+$0xC240]  }
0x9a: {  	v6 =	vld [tilespmem:s11+$0xC250]  }
0x9b: {  	[tilespmem:s11+$0x270] =	vst.add.f32.msk $0xffff, v0  }
0x9c: {  	v0 =	vld [tilespmem:s11+$0xC260]  }
0x9d: {  	[tilespmem:s11+$0x200] =	vst.add.f32.msk $0xffff, v1  }
0x9e: {  	[tilespmem:s11+$0x210] =	vst.add.f32.msk $0xffff, v2  }
0x9f: {  	[tilespmem:s11+$0x220] =	vst.add.f32.msk $0xffff, v3  }
0xa0: {  	[tilespmem:s11+$0x230] =	vst.add.f32.msk $0xffff, v4  }
0xa1: {  	[tilespmem:s11+$0x240] =	vst.add.f32.msk $0xffff, v5  }
0xa2: {  	s12 =	simm.s32 $0x0;
	s13 =	simm.s32 $0x1000;
	[tilespmem:s11+$0x250] =	vst.add.f32.msk $0xffff, v6  }
.LBB2_10:
0xa3: {  	s12 =	sadd.s32 $0x80, s12;
	[tilespmem:s11+$0x260] =	vst.add.f32.msk $0xffff, v0;
	s11 =	sshra.s32 s13, $0x2  }
0xa4: {  	v0 =	vld [tilespmem:s11+$0xC270];
	p0 =	slt.u32 s12, $0x280  }
0xa5: {  	v1 =	vld [tilespmem:s11+$0xC200]  }
0xa6: {  	v2 =	vld [tilespmem:s11+$0xC210]  }
0xa7: {  	v3 =	vld [tilespmem:s11+$0xC220]  }
0xa8: {  	v4 =	vld [tilespmem:s11+$0xC230]  }
0xa9: {  	[tilespmem:s11+$0x270] =	vst.add.f32.msk $0xffff, v0  }
0xaa: {  	v5 =	vld [tilespmem:s11+$0xC240]  }
0xab: {  	v6 =	vld [tilespmem:s11+$0xC250]  }
0xac: {  	v0 =	vld [tilespmem:s11+$0xC260]  }
0xad: {  	[tilespmem:s11+$0x200] =	vst.add.f32.msk $0xffff, v1  }
.Ltmp4:
0xae: {  	[tilespmem:s11+$0x210] =	vst.add.f32.msk $0xffff, v2;
	(pc) =	sbr.rel @p0 .LBB2_10-.Ltmp4, $4  }
0xaf: {  	[tilespmem:s11+$0x220] =	vst.add.f32.msk $0xffff, v3  }
0xb0: {  	[tilespmem:s11+$0x230] =	vst.add.f32.msk $0xffff, v4  }
0xb1: {  	[tilespmem:s11+$0x240] =	vst.add.f32.msk $0xffff, v5  }
0xb2: {  	s13 =	sadd.s32 $0x1000, s13;
	[tilespmem:s11+$0x250] =	vst.add.f32.msk $0xffff, v6  }
0xb3: {  	[tilespmem:s11+$0x260] =	vst.add.f32.msk $0xffff, v0;
	s11 =	simm.s32 $0x0  }
0xb4: {  	v0 =	vld [tilespmem:s11+$0xC2F0]  }
0xb5: {  	v1 =	vld [tilespmem:s11+$0xC280]  }
0xb6: {  	v2 =	vld [tilespmem:s11+$0xC290]  }
0xb7: {  	v3 =	vld [tilespmem:s11+$0xC2A0]  }
0xb8: {  	v4 =	vld [tilespmem:s11+$0xC2B0]  }
0xb9: {  	v5 =	vld [tilespmem:s11+$0xC2C0]  }
0xba: {  	v6 =	vld [tilespmem:s11+$0xC2D0]  }
0xbb: {  	[tilespmem:s11+$0x2F0] =	vst.add.f32.msk $0xffff, v0  }
0xbc: {  	v0 =	vld [tilespmem:s11+$0xC2E0]  }
0xbd: {  	[tilespmem:s11+$0x280] =	vst.add.f32.msk $0xffff, v1  }
0xbe: {  	[tilespmem:s11+$0x290] =	vst.add.f32.msk $0xffff, v2  }
0xbf: {  	[tilespmem:s11+$0x2A0] =	vst.add.f32.msk $0xffff, v3  }
0xc0: {  	[tilespmem:s11+$0x2B0] =	vst.add.f32.msk $0xffff, v4  }
0xc1: {  	[tilespmem:s11+$0x2C0] =	vst.add.f32.msk $0xffff, v5  }
0xc2: {  	s12 =	simm.s32 $0x0;
	s13 =	simm.s32 $0x1000;
	[tilespmem:s11+$0x2D0] =	vst.add.f32.msk $0xffff, v6  }
.LBB2_12:
0xc3: {  	s12 =	sadd.s32 $0x80, s12;
	[tilespmem:s11+$0x2E0] =	vst.add.f32.msk $0xffff, v0;
	s11 =	sshra.s32 s13, $0x2  }
0xc4: {  	v0 =	vld [tilespmem:s11+$0xC2F0];
	p0 =	slt.u32 s12, $0x280  }
0xc5: {  	v1 =	vld [tilespmem:s11+$0xC280]  }
0xc6: {  	v2 =	vld [tilespmem:s11+$0xC290]  }
0xc7: {  	v3 =	vld [tilespmem:s11+$0xC2A0]  }
0xc8: {  	v4 =	vld [tilespmem:s11+$0xC2B0]  }
0xc9: {  	[tilespmem:s11+$0x2F0] =	vst.add.f32.msk $0xffff, v0  }
0xca: {  	v5 =	vld [tilespmem:s11+$0xC2C0]  }
0xcb: {  	v6 =	vld [tilespmem:s11+$0xC2D0]  }
0xcc: {  	v0 =	vld [tilespmem:s11+$0xC2E0]  }
0xcd: {  	[tilespmem:s11+$0x280] =	vst.add.f32.msk $0xffff, v1  }
.Ltmp5:
0xce: {  	[tilespmem:s11+$0x290] =	vst.add.f32.msk $0xffff, v2;
	(pc) =	sbr.rel @p0 .LBB2_12-.Ltmp5, $4  }
0xcf: {  	[tilespmem:s11+$0x2A0] =	vst.add.f32.msk $0xffff, v3  }
0xd0: {  	[tilespmem:s11+$0x2B0] =	vst.add.f32.msk $0xffff, v4  }
0xd1: {  	[tilespmem:s11+$0x2C0] =	vst.add.f32.msk $0xffff, v5  }
0xd2: {  	s13 =	sadd.s32 $0x1000, s13;
	[tilespmem:s11+$0x2D0] =	vst.add.f32.msk $0xffff, v6  }
0xd3: {  	[tilespmem:s11+$0x2E0] =	vst.add.f32.msk $0xffff, v0;
	s11 =	simm.s32 $0x0  }
0xd4: {  	v0 =	vld [tilespmem:s11+$0xC370]  }
0xd5: {  	v1 =	vld [tilespmem:s11+$0xC300]  }
0xd6: {  	v2 =	vld [tilespmem:s11+$0xC310]  }
0xd7: {  	v3 =	vld [tilespmem:s11+$0xC320]  }
0xd8: {  	v4 =	vld [tilespmem:s11+$0xC330]  }
0xd9: {  	v5 =	vld [tilespmem:s11+$0xC340]  }
0xda: {  	v6 =	vld [tilespmem:s11+$0xC350]  }
0xdb: {  	[tilespmem:s11+$0x370] =	vst.add.f32.msk $0xffff, v0  }
0xdc: {  	v0 =	vld [tilespmem:s11+$0xC360]  }
0xdd: {  	[tilespmem:s11+$0x300] =	vst.add.f32.msk $0xffff, v1  }
0xde: {  	[tilespmem:s11+$0x310] =	vst.add.f32.msk $0xffff, v2  }
0xdf: {  	[tilespmem:s11+$0x320] =	vst.add.f32.msk $0xffff, v3  }
0xe0: {  	[tilespmem:s11+$0x330] =	vst.add.f32.msk $0xffff, v4  }
0xe1: {  	[tilespmem:s11+$0x340] =	vst.add.f32.msk $0xffff, v5  }
0xe2: {  	s12 =	simm.s32 $0x0;
	s13 =	simm.s32 $0x1000;
	[tilespmem:s11+$0x350] =	vst.add.f32.msk $0xffff, v6  }
.LBB2_14:
0xe3: {  	s12 =	sadd.s32 $0x80, s12;
	[tilespmem:s11+$0x360] =	vst.add.f32.msk $0xffff, v0;
	s11 =	sshra.s32 s13, $0x2  }
0xe4: {  	v0 =	vld [tilespmem:s11+$0xC370];
	p0 =	slt.u32 s12, $0x280  }
0xe5: {  	v1 =	vld [tilespmem:s11+$0xC300]  }
0xe6: {  	v2 =	vld [tilespmem:s11+$0xC310]  }
0xe7: {  	v3 =	vld [tilespmem:s11+$0xC320]  }
0xe8: {  	v4 =	vld [tilespmem:s11+$0xC330]  }
0xe9: {  	[tilespmem:s11+$0x370] =	vst.add.f32.msk $0xffff, v0  }
0xea: {  	v5 =	vld [tilespmem:s11+$0xC340]  }
0xeb: {  	v6 =	vld [tilespmem:s11+$0xC350]  }
0xec: {  	v0 =	vld [tilespmem:s11+$0xC360]  }
0xed: {  	[tilespmem:s11+$0x300] =	vst.add.f32.msk $0xffff, v1  }
.Ltmp6:
0xee: {  	[tilespmem:s11+$0x310] =	vst.add.f32.msk $0xffff, v2;
	(pc) =	sbr.rel @p0 .LBB2_14-.Ltmp6, $4  }
0xef: {  	[tilespmem:s11+$0x320] =	vst.add.f32.msk $0xffff, v3  }
0xf0: {  	[tilespmem:s11+$0x330] =	vst.add.f32.msk $0xffff, v4  }
0xf1: {  	[tilespmem:s11+$0x340] =	vst.add.f32.msk $0xffff, v5  }
0xf2: {  	s13 =	sadd.s32 $0x1000, s13;
	[tilespmem:s11+$0x350] =	vst.add.f32.msk $0xffff, v6  }
0xf3: {  	[tilespmem:s11+$0x360] =	vst.add.f32.msk $0xffff, v0;
	s11 =	simm.s32 $0x0  }
0xf4: {  	v0 =	vld [tilespmem:s11+$0xC3F0]  }
0xf5: {  	v1 =	vld [tilespmem:s11+$0xC380]  }
0xf6: {  	v2 =	vld [tilespmem:s11+$0xC390]  }
0xf7: {  	v3 =	vld [tilespmem:s11+$0xC3A0]  }
0xf8: {  	v4 =	vld [tilespmem:s11+$0xC3B0]  }
0xf9: {  	v5 =	vld [tilespmem:s11+$0xC3C0]  }
0xfa: {  	v6 =	vld [tilespmem:s11+$0xC3D0]  }
0xfb: {  	[tilespmem:s11+$0x3F0] =	vst.add.f32.msk $0xffff, v0  }
0xfc: {  	v0 =	vld [tilespmem:s11+$0xC3E0]  }
0xfd: {  	[tilespmem:s11+$0x380] =	vst.add.f32.msk $0xffff, v1  }
0xfe: {  	[tilespmem:s11+$0x390] =	vst.add.f32.msk $0xffff, v2  }
0xff: {  	[tilespmem:s11+$0x3A0] =	vst.add.f32.msk $0xffff, v3  }
0x100: {  	[tilespmem:s11+$0x3B0] =	vst.add.f32.msk $0xffff, v4  }
0x101: {  	[tilespmem:s11+$0x3C0] =	vst.add.f32.msk $0xffff, v5  }
0x102: {  	s12 =	simm.s32 $0x0;
	s13 =	simm.s32 $0x1000;
	[tilespmem:s11+$0x3D0] =	vst.add.f32.msk $0xffff, v6  }
.LBB2_16:
0x103: {  	s12 =	sadd.s32 $0x80, s12;
	[tilespmem:s11+$0x3E0] =	vst.add.f32.msk $0xffff, v0;
	s11 =	sshra.s32 s13, $0x2  }
0x104: {  	v0 =	vld [tilespmem:s11+$0xC3F0];
	p0 =	slt.u32 s12, $0x280  }
0x105: {  	v1 =	vld [tilespmem:s11+$0xC380]  }
0x106: {  	v2 =	vld [tilespmem:s11+$0xC390]  }
0x107: {  	v3 =	vld [tilespmem:s11+$0xC3A0]  }
0x108: {  	v4 =	vld [tilespmem:s11+$0xC3B0]  }
0x109: {  	[tilespmem:s11+$0x3F0] =	vst.add.f32.msk $0xffff, v0  }
0x10a: {  	v5 =	vld [tilespmem:s11+$0xC3C0]  }
0x10b: {  	v6 =	vld [tilespmem:s11+$0xC3D0]  }
0x10c: {  	v0 =	vld [tilespmem:s11+$0xC3E0]  }
0x10d: {  	[tilespmem:s11+$0x380] =	vst.add.f32.msk $0xffff, v1  }
.Ltmp7:
0x10e: {  	[tilespmem:s11+$0x390] =	vst.add.f32.msk $0xffff, v2;
	(pc) =	sbr.rel @p0 .LBB2_16-.Ltmp7, $4  }
0x10f: {  	[tilespmem:s11+$0x3A0] =	vst.add.f32.msk $0xffff, v3  }
0x110: {  	[tilespmem:s11+$0x3B0] =	vst.add.f32.msk $0xffff, v4  }
0x111: {  	[tilespmem:s11+$0x3C0] =	vst.add.f32.msk $0xffff, v5  }
0x112: {  	s13 =	sadd.s32 $0x1000, s13;
	[tilespmem:s11+$0x3D0] =	vst.add.f32.msk $0xffff, v6  }
0x113: {  	[tilespmem:s11+$0x3E0] =	vst.add.f32.msk $0xffff, v0;
	s11 =	simm.s32 $0x0  }
0x114: {  	v0 =	vld [tilespmem:s11+$0xD870]  }
0x115: {  	v1 =	vld [tilespmem:s11+$0xD800]  }
0x116: {  	v2 =	vld [tilespmem:s11+$0xD810]  }
0x117: {  	v3 =	vld [tilespmem:s11+$0xD820]  }
0x118: {  	v4 =	vld [tilespmem:s11+$0xD830]  }
0x119: {  	v5 =	vld [tilespmem:s11+$0xD840]  }
0x11a: {  	v6 =	vld [tilespmem:s11+$0xD850]  }
0x11b: {  	[tilespmem:s11+$0x1870] =	vst.add.f32.msk $0xffff, v0  }
0x11c: {  	v0 =	vld [tilespmem:s11+$0xD860]  }
0x11d: {  	[tilespmem:s11+$0x1800] =	vst.add.f32.msk $0xffff, v1  }
0x11e: {  	[tilespmem:s11+$0x1810] =	vst.add.f32.msk $0xffff, v2  }
0x11f: {  	[tilespmem:s11+$0x1820] =	vst.add.f32.msk $0xffff, v3  }
0x120: {  	[tilespmem:s11+$0x1830] =	vst.add.f32.msk $0xffff, v4  }
0x121: {  	[tilespmem:s11+$0x1840] =	vst.add.f32.msk $0xffff, v5  }
0x122: {  	s12 =	simm.s32 $0x0;
	s13 =	simm.s32 $0x1000;
	[tilespmem:s11+$0x1850] =	vst.add.f32.msk $0xffff, v6  }
.LBB2_18:
0x123: {  	s12 =	sadd.s32 $0x80, s12;
	[tilespmem:s11+$0x1860] =	vst.add.f32.msk $0xffff, v0;
	s11 =	sshra.s32 s13, $0x2  }
0x124: {  	v0 =	vld [tilespmem:s11+$0xD870];
	p0 =	slt.u32 s12, $0x280  }
0x125: {  	v1 =	vld [tilespmem:s11+$0xD800]  }
0x126: {  	v2 =	vld [tilespmem:s11+$0xD810]  }
0x127: {  	v3 =	vld [tilespmem:s11+$0xD820]  }
0x128: {  	v4 =	vld [tilespmem:s11+$0xD830]  }
0x129: {  	[tilespmem:s11+$0x1870] =	vst.add.f32.msk $0xffff, v0  }
0x12a: {  	v5 =	vld [tilespmem:s11+$0xD840]  }
0x12b: {  	v6 =	vld [tilespmem:s11+$0xD850]  }
0x12c: {  	v0 =	vld [tilespmem:s11+$0xD860]  }
0x12d: {  	[tilespmem:s11+$0x1800] =	vst.add.f32.msk $0xffff, v1  }
.Ltmp8:
0x12e: {  	[tilespmem:s11+$0x1810] =	vst.add.f32.msk $0xffff, v2;
	(pc) =	sbr.rel @p0 .LBB2_18-.Ltmp8, $4  }
0x12f: {  	[tilespmem:s11+$0x1820] =	vst.add.f32.msk $0xffff, v3  }
0x130: {  	[tilespmem:s11+$0x1830] =	vst.add.f32.msk $0xffff, v4  }
0x131: {  	[tilespmem:s11+$0x1840] =	vst.add.f32.msk $0xffff, v5  }
0x132: {  	s13 =	sadd.s32 $0x1000, s13;
	[tilespmem:s11+$0x1850] =	vst.add.f32.msk $0xffff, v6  }
0x133: {  	[tilespmem:s11+$0x1860] =	vst.add.f32.msk $0xffff, v0;
	s11 =	simm.s32 $0x0  }
0x134: {  	v0 =	vld [tilespmem:s11+$0xD8F0]  }
0x135: {  	v1 =	vld [tilespmem:s11+$0xD880]  }
0x136: {  	v2 =	vld [tilespmem:s11+$0xD890]  }
0x137: {  	v3 =	vld [tilespmem:s11+$0xD8A0]  }
0x138: {  	v4 =	vld [tilespmem:s11+$0xD8B0]  }
0x139: {  	v5 =	vld [tilespmem:s11+$0xD8C0]  }
0x13a: {  	v6 =	vld [tilespmem:s11+$0xD8D0]  }
0x13b: {  	[tilespmem:s11+$0x18F0] =	vst.add.f32.msk $0xffff, v0  }
0x13c: {  	v0 =	vld [tilespmem:s11+$0xD8E0]  }
0x13d: {  	[tilespmem:s11+$0x1880] =	vst.add.f32.msk $0xffff, v1  }
0x13e: {  	[tilespmem:s11+$0x1890] =	vst.add.f32.msk $0xffff, v2  }
0x13f: {  	[tilespmem:s11+$0x18A0] =	vst.add.f32.msk $0xffff, v3  }
0x140: {  	[tilespmem:s11+$0x18B0] =	vst.add.f32.msk $0xffff, v4  }
0x141: {  	[tilespmem:s11+$0x18C0] =	vst.add.f32.msk $0xffff, v5  }
0x142: {  	s12 =	simm.s32 $0x0;
	s13 =	simm.s32 $0x1000;
	[tilespmem:s11+$0x18D0] =	vst.add.f32.msk $0xffff, v6  }
.LBB2_20:
0x143: {  	s12 =	sadd.s32 $0x80, s12;
	[tilespmem:s11+$0x18E0] =	vst.add.f32.msk $0xffff, v0;
	s11 =	sshra.s32 s13, $0x2  }
0x144: {  	v0 =	vld [tilespmem:s11+$0xD8F0];
	p0 =	slt.u32 s12, $0x280  }
0x145: {  	v1 =	vld [tilespmem:s11+$0xD880]  }
0x146: {  	v2 =	vld [tilespmem:s11+$0xD890]  }
0x147: {  	v3 =	vld [tilespmem:s11+$0xD8A0]  }
0x148: {  	v4 =	vld [tilespmem:s11+$0xD8B0]  }
0x149: {  	[tilespmem:s11+$0x18F0] =	vst.add.f32.msk $0xffff, v0  }
0x14a: {  	v5 =	vld [tilespmem:s11+$0xD8C0]  }
0x14b: {  	v6 =	vld [tilespmem:s11+$0xD8D0]  }
0x14c: {  	v0 =	vld [tilespmem:s11+$0xD8E0]  }
0x14d: {  	[tilespmem:s11+$0x1880] =	vst.add.f32.msk $0xffff, v1  }
.Ltmp9:
0x14e: {  	[tilespmem:s11+$0x1890] =	vst.add.f32.msk $0xffff, v2;
	(pc) =	sbr.rel @p0 .LBB2_20-.Ltmp9, $4  }
0x14f: {  	[tilespmem:s11+$0x18A0] =	vst.add.f32.msk $0xffff, v3  }
0x150: {  	[tilespmem:s11+$0x18B0] =	vst.add.f32.msk $0xffff, v4  }
0x151: {  	[tilespmem:s11+$0x18C0] =	vst.add.f32.msk $0xffff, v5  }
0x152: {  	s13 =	sadd.s32 $0x1000, s13;
	[tilespmem:s11+$0x18D0] =	vst.add.f32.msk $0xffff, v6  }
0x153: {  	[tilespmem:s11+$0x18E0] =	vst.add.f32.msk $0xffff, v0;
	s11 =	simm.s32 $0x0  }
0x154: {  	v0 =	vld [tilespmem:s11+$0xD970]  }
0x155: {  	v1 =	vld [tilespmem:s11+$0xD900]  }
0x156: {  	v2 =	vld [tilespmem:s11+$0xD910]  }
0x157: {  	v3 =	vld [tilespmem:s11+$0xD920]  }
0x158: {  	v4 =	vld [tilespmem:s11+$0xD930]  }
0x159: {  	v5 =	vld [tilespmem:s11+$0xD940]  }
0x15a: {  	v6 =	vld [tilespmem:s11+$0xD950]  }
0x15b: {  	[tilespmem:s11+$0x1970] =	vst.add.f32.msk $0xffff, v0  }
0x15c: {  	v0 =	vld [tilespmem:s11+$0xD960]  }
0x15d: {  	[tilespmem:s11+$0x1900] =	vst.add.f32.msk $0xffff, v1  }
0x15e: {  	[tilespmem:s11+$0x1910] =	vst.add.f32.msk $0xffff, v2  }
0x15f: {  	[tilespmem:s11+$0x1920] =	vst.add.f32.msk $0xffff, v3  }
0x160: {  	[tilespmem:s11+$0x1930] =	vst.add.f32.msk $0xffff, v4  }
0x161: {  	[tilespmem:s11+$0x1940] =	vst.add.f32.msk $0xffff, v5  }
0x162: {  	s12 =	simm.s32 $0x0;
	s13 =	simm.s32 $0x1000;
	[tilespmem:s11+$0x1950] =	vst.add.f32.msk $0xffff, v6  }
.LBB2_22:
0x163: {  	s12 =	sadd.s32 $0x80, s12;
	[tilespmem:s11+$0x1960] =	vst.add.f32.msk $0xffff, v0;
	s11 =	sshra.s32 s13, $0x2  }
0x164: {  	v0 =	vld [tilespmem:s11+$0xD970];
	p0 =	slt.u32 s12, $0x280  }
0x165: {  	v1 =	vld [tilespmem:s11+$0xD900]  }
0x166: {  	v2 =	vld [tilespmem:s11+$0xD910]  }
0x167: {  	v3 =	vld [tilespmem:s11+$0xD920]  }
0x168: {  	v4 =	vld [tilespmem:s11+$0xD930]  }
0x169: {  	[tilespmem:s11+$0x1970] =	vst.add.f32.msk $0xffff, v0  }
0x16a: {  	v5 =	vld [tilespmem:s11+$0xD940]  }
0x16b: {  	v6 =	vld [tilespmem:s11+$0xD950]  }
0x16c: {  	v0 =	vld [tilespmem:s11+$0xD960]  }
0x16d: {  	[tilespmem:s11+$0x1900] =	vst.add.f32.msk $0xffff, v1  }
.Ltmp10:
0x16e: {  	[tilespmem:s11+$0x1910] =	vst.add.f32.msk $0xffff, v2;
	(pc) =	sbr.rel @p0 .LBB2_22-.Ltmp10, $4  }
0x16f: {  	[tilespmem:s11+$0x1920] =	vst.add.f32.msk $0xffff, v3  }
0x170: {  	[tilespmem:s11+$0x1930] =	vst.add.f32.msk $0xffff, v4  }
0x171: {  	[tilespmem:s11+$0x1940] =	vst.add.f32.msk $0xffff, v5  }
0x172: {  	s13 =	sadd.s32 $0x1000, s13;
	[tilespmem:s11+$0x1950] =	vst.add.f32.msk $0xffff, v6  }
0x173: {  	[tilespmem:s11+$0x1960] =	vst.add.f32.msk $0xffff, v0;
	s11 =	simm.s32 $0x0  }
0x174: {  	v0 =	vld [tilespmem:s11+$0xD9F0]  }
0x175: {  	v1 =	vld [tilespmem:s11+$0xD980]  }
0x176: {  	v2 =	vld [tilespmem:s11+$0xD990]  }
0x177: {  	v3 =	vld [tilespmem:s11+$0xD9A0]  }
0x178: {  	v4 =	vld [tilespmem:s11+$0xD9B0]  }
0x179: {  	v5 =	vld [tilespmem:s11+$0xD9C0]  }
0x17a: {  	v6 =	vld [tilespmem:s11+$0xD9D0]  }
0x17b: {  	[tilespmem:s11+$0x19F0] =	vst.add.f32.msk $0xffff, v0  }
0x17c: {  	v0 =	vld [tilespmem:s11+$0xD9E0]  }
0x17d: {  	[tilespmem:s11+$0x1980] =	vst.add.f32.msk $0xffff, v1  }
0x17e: {  	[tilespmem:s11+$0x1990] =	vst.add.f32.msk $0xffff, v2  }
0x17f: {  	[tilespmem:s11+$0x19A0] =	vst.add.f32.msk $0xffff, v3  }
0x180: {  	[tilespmem:s11+$0x19B0] =	vst.add.f32.msk $0xffff, v4  }
0x181: {  	[tilespmem:s11+$0x19C0] =	vst.add.f32.msk $0xffff, v5  }
0x182: {  	s12 =	simm.s32 $0x0;
	s13 =	simm.s32 $0x1000;
	[tilespmem:s11+$0x19D0] =	vst.add.f32.msk $0xffff, v6  }
.LBB2_24:
0x183: {  	s12 =	sadd.s32 $0x80, s12;
	[tilespmem:s11+$0x19E0] =	vst.add.f32.msk $0xffff, v0;
	s11 =	sshra.s32 s13, $0x2  }
0x184: {  	v0 =	vld [tilespmem:s11+$0xD9F0];
	p0 =	slt.u32 s12, $0x280  }
0x185: {  	v1 =	vld [tilespmem:s11+$0xD980]  }
0x186: {  	v2 =	vld [tilespmem:s11+$0xD990]  }
0x187: {  	v3 =	vld [tilespmem:s11+$0xD9A0]  }
0x188: {  	v4 =	vld [tilespmem:s11+$0xD9B0]  }
0x189: {  	[tilespmem:s11+$0x19F0] =	vst.add.f32.msk $0xffff, v0  }
0x18a: {  	v5 =	vld [tilespmem:s11+$0xD9C0]  }
0x18b: {  	v6 =	vld [tilespmem:s11+$0xD9D0]  }
0x18c: {  	v0 =	vld [tilespmem:s11+$0xD9E0]  }
0x18d: {  	[tilespmem:s11+$0x1980] =	vst.add.f32.msk $0xffff, v1  }
.Ltmp11:
0x18e: {  	[tilespmem:s11+$0x1990] =	vst.add.f32.msk $0xffff, v2;
	(pc) =	sbr.rel @p0 .LBB2_24-.Ltmp11, $4  }
0x18f: {  	[tilespmem:s11+$0x19A0] =	vst.add.f32.msk $0xffff, v3  }
0x190: {  	[tilespmem:s11+$0x19B0] =	vst.add.f32.msk $0xffff, v4  }
0x191: {  	[tilespmem:s11+$0x19C0] =	vst.add.f32.msk $0xffff, v5  }
0x192: {  	s13 =	sadd.s32 $0x1000, s13;
	[tilespmem:s11+$0x19D0] =	vst.add.f32.msk $0xffff, v6  }
0x193: {  	[tilespmem:s11+$0x19E0] =	vst.add.f32.msk $0xffff, v0;
	s11 =	simm.s32 $0x0  }
0x194: {  	v0 =	vld [tilespmem:s11+$0xDA70]  }
0x195: {  	v1 =	vld [tilespmem:s11+$0xDA00]  }
0x196: {  	v2 =	vld [tilespmem:s11+$0xDA10]  }
0x197: {  	v3 =	vld [tilespmem:s11+$0xDA20]  }
0x198: {  	v4 =	vld [tilespmem:s11+$0xDA30]  }
0x199: {  	v5 =	vld [tilespmem:s11+$0xDA40]  }
0x19a: {  	v6 =	vld [tilespmem:s11+$0xDA50]  }
0x19b: {  	[tilespmem:s11+$0x1A70] =	vst.add.f32.msk $0xffff, v0  }
0x19c: {  	v0 =	vld [tilespmem:s11+$0xDA60]  }
0x19d: {  	[tilespmem:s11+$0x1A00] =	vst.add.f32.msk $0xffff, v1  }
0x19e: {  	[tilespmem:s11+$0x1A10] =	vst.add.f32.msk $0xffff, v2  }
0x19f: {  	[tilespmem:s11+$0x1A20] =	vst.add.f32.msk $0xffff, v3  }
0x1a0: {  	[tilespmem:s11+$0x1A30] =	vst.add.f32.msk $0xffff, v4  }
0x1a1: {  	[tilespmem:s11+$0x1A40] =	vst.add.f32.msk $0xffff, v5  }
0x1a2: {  	s12 =	simm.s32 $0x0;
	s13 =	simm.s32 $0x1000;
	[tilespmem:s11+$0x1A50] =	vst.add.f32.msk $0xffff, v6  }
.LBB2_26:
0x1a3: {  	s12 =	sadd.s32 $0x80, s12;
	[tilespmem:s11+$0x1A60] =	vst.add.f32.msk $0xffff, v0;
	s11 =	sshra.s32 s13, $0x2  }
0x1a4: {  	v0 =	vld [tilespmem:s11+$0xDA70];
	p0 =	slt.u32 s12, $0x280  }
0x1a5: {  	v1 =	vld [tilespmem:s11+$0xDA00]  }
0x1a6: {  	v2 =	vld [tilespmem:s11+$0xDA10]  }
0x1a7: {  	v3 =	vld [tilespmem:s11+$0xDA20]  }
0x1a8: {  	v4 =	vld [tilespmem:s11+$0xDA30]  }
0x1a9: {  	[tilespmem:s11+$0x1A70] =	vst.add.f32.msk $0xffff, v0  }
0x1aa: {  	v5 =	vld [tilespmem:s11+$0xDA40]  }
0x1ab: {  	v6 =	vld [tilespmem:s11+$0xDA50]  }
0x1ac: {  	v0 =	vld [tilespmem:s11+$0xDA60]  }
0x1ad: {  	[tilespmem:s11+$0x1A00] =	vst.add.f32.msk $0xffff, v1  }
.Ltmp12:
0x1ae: {  	[tilespmem:s11+$0x1A10] =	vst.add.f32.msk $0xffff, v2;
	(pc) =	sbr.rel @p0 .LBB2_26-.Ltmp12, $4  }
0x1af: {  	[tilespmem:s11+$0x1A20] =	vst.add.f32.msk $0xffff, v3  }
0x1b0: {  	[tilespmem:s11+$0x1A30] =	vst.add.f32.msk $0xffff, v4  }
0x1b1: {  	[tilespmem:s11+$0x1A40] =	vst.add.f32.msk $0xffff, v5  }
0x1b2: {  	s13 =	sadd.s32 $0x1000, s13;
	[tilespmem:s11+$0x1A50] =	vst.add.f32.msk $0xffff, v6  }
0x1b3: {  	[tilespmem:s11+$0x1A60] =	vst.add.f32.msk $0xffff, v0;
	s11 =	simm.s32 $0x0  }
0x1b4: {  	v0 =	vld [tilespmem:s11+$0xDAF0]  }
0x1b5: {  	v1 =	vld [tilespmem:s11+$0xDA80]  }
0x1b6: {  	v2 =	vld [tilespmem:s11+$0xDA90]  }
0x1b7: {  	v3 =	vld [tilespmem:s11+$0xDAA0]  }
0x1b8: {  	v4 =	vld [tilespmem:s11+$0xDAB0]  }
0x1b9: {  	v5 =	vld [tilespmem:s11+$0xDAC0]  }
0x1ba: {  	v6 =	vld [tilespmem:s11+$0xDAD0]  }
0x1bb: {  	[tilespmem:s11+$0x1AF0] =	vst.add.f32.msk $0xffff, v0  }
0x1bc: {  	v0 =	vld [tilespmem:s11+$0xDAE0]  }
0x1bd: {  	[tilespmem:s11+$0x1A80] =	vst.add.f32.msk $0xffff, v1  }
0x1be: {  	[tilespmem:s11+$0x1A90] =	vst.add.f32.msk $0xffff, v2  }
0x1bf: {  	[tilespmem:s11+$0x1AA0] =	vst.add.f32.msk $0xffff, v3  }
0x1c0: {  	[tilespmem:s11+$0x1AB0] =	vst.add.f32.msk $0xffff, v4  }
0x1c1: {  	[tilespmem:s11+$0x1AC0] =	vst.add.f32.msk $0xffff, v5  }
0x1c2: {  	s12 =	simm.s32 $0x0;
	s13 =	simm.s32 $0x1000;
	[tilespmem:s11+$0x1AD0] =	vst.add.f32.msk $0xffff, v6  }
.LBB2_28:
0x1c3: {  	s12 =	sadd.s32 $0x80, s12;
	[tilespmem:s11+$0x1AE0] =	vst.add.f32.msk $0xffff, v0;
	s11 =	sshra.s32 s13, $0x2  }
0x1c4: {  	v0 =	vld [tilespmem:s11+$0xDAF0];
	p0 =	slt.u32 s12, $0x280  }
0x1c5: {  	v1 =	vld [tilespmem:s11+$0xDA80]  }
0x1c6: {  	v2 =	vld [tilespmem:s11+$0xDA90]  }
0x1c7: {  	v3 =	vld [tilespmem:s11+$0xDAA0]  }
0x1c8: {  	v4 =	vld [tilespmem:s11+$0xDAB0]  }
0x1c9: {  	[tilespmem:s11+$0x1AF0] =	vst.add.f32.msk $0xffff, v0  }
0x1ca: {  	v5 =	vld [tilespmem:s11+$0xDAC0]  }
0x1cb: {  	v6 =	vld [tilespmem:s11+$0xDAD0]  }
0x1cc: {  	v0 =	vld [tilespmem:s11+$0xDAE0]  }
0x1cd: {  	[tilespmem:s11+$0x1A80] =	vst.add.f32.msk $0xffff, v1  }
.Ltmp13:
0x1ce: {  	[tilespmem:s11+$0x1A90] =	vst.add.f32.msk $0xffff, v2;
	(pc) =	sbr.rel @p0 .LBB2_28-.Ltmp13, $4  }
0x1cf: {  	[tilespmem:s11+$0x1AA0] =	vst.add.f32.msk $0xffff, v3  }
0x1d0: {  	[tilespmem:s11+$0x1AB0] =	vst.add.f32.msk $0xffff, v4  }
0x1d1: {  	[tilespmem:s11+$0x1AC0] =	vst.add.f32.msk $0xffff, v5  }
0x1d2: {  	s13 =	sadd.s32 $0x1000, s13;
	[tilespmem:s11+$0x1AD0] =	vst.add.f32.msk $0xffff, v6  }
0x1d3: {  	[tilespmem:s11+$0x1AE0] =	vst.add.f32.msk $0xffff, v0;
	s11 =	simm.s32 $0x0  }
0x1d4: {  	v0 =	vld [tilespmem:s11+$0xDB70]  }
0x1d5: {  	v1 =	vld [tilespmem:s11+$0xDB00]  }
0x1d6: {  	v2 =	vld [tilespmem:s11+$0xDB10]  }
0x1d7: {  	v3 =	vld [tilespmem:s11+$0xDB20]  }
0x1d8: {  	v4 =	vld [tilespmem:s11+$0xDB30]  }
0x1d9: {  	v5 =	vld [tilespmem:s11+$0xDB40]  }
0x1da: {  	v6 =	vld [tilespmem:s11+$0xDB50]  }
0x1db: {  	[tilespmem:s11+$0x1B70] =	vst.add.f32.msk $0xffff, v0  }
0x1dc: {  	v0 =	vld [tilespmem:s11+$0xDB60]  }
0x1dd: {  	[tilespmem:s11+$0x1B00] =	vst.add.f32.msk $0xffff, v1  }
0x1de: {  	[tilespmem:s11+$0x1B10] =	vst.add.f32.msk $0xffff, v2  }
0x1df: {  	[tilespmem:s11+$0x1B20] =	vst.add.f32.msk $0xffff, v3  }
0x1e0: {  	[tilespmem:s11+$0x1B30] =	vst.add.f32.msk $0xffff, v4  }
0x1e1: {  	[tilespmem:s11+$0x1B40] =	vst.add.f32.msk $0xffff, v5  }
0x1e2: {  	s12 =	simm.s32 $0x0;
	s13 =	simm.s32 $0x1000;
	[tilespmem:s11+$0x1B50] =	vst.add.f32.msk $0xffff, v6  }
.LBB2_30:
0x1e3: {  	s12 =	sadd.s32 $0x80, s12;
	[tilespmem:s11+$0x1B60] =	vst.add.f32.msk $0xffff, v0;
	s11 =	sshra.s32 s13, $0x2  }
0x1e4: {  	v0 =	vld [tilespmem:s11+$0xDB70];
	p0 =	slt.u32 s12, $0x280  }
0x1e5: {  	v1 =	vld [tilespmem:s11+$0xDB00]  }
0x1e6: {  	v2 =	vld [tilespmem:s11+$0xDB10]  }
0x1e7: {  	v3 =	vld [tilespmem:s11+$0xDB20]  }
0x1e8: {  	v4 =	vld [tilespmem:s11+$0xDB30]  }
0x1e9: {  	[tilespmem:s11+$0x1B70] =	vst.add.f32.msk $0xffff, v0  }
0x1ea: {  	v5 =	vld [tilespmem:s11+$0xDB40]  }
0x1eb: {  	v6 =	vld [tilespmem:s11+$0xDB50]  }
0x1ec: {  	v0 =	vld [tilespmem:s11+$0xDB60]  }
0x1ed: {  	[tilespmem:s11+$0x1B00] =	vst.add.f32.msk $0xffff, v1  }
.Ltmp14:
0x1ee: {  	[tilespmem:s11+$0x1B10] =	vst.add.f32.msk $0xffff, v2;
	(pc) =	sbr.rel @p0 .LBB2_30-.Ltmp14, $4  }
0x1ef: {  	[tilespmem:s11+$0x1B20] =	vst.add.f32.msk $0xffff, v3  }
0x1f0: {  	[tilespmem:s11+$0x1B30] =	vst.add.f32.msk $0xffff, v4  }
0x1f1: {  	[tilespmem:s11+$0x1B40] =	vst.add.f32.msk $0xffff, v5  }
0x1f2: {  	s13 =	sadd.s32 $0x1000, s13;
	[tilespmem:s11+$0x1B50] =	vst.add.f32.msk $0xffff, v6  }
0x1f3: {  	[tilespmem:s11+$0x1B60] =	vst.add.f32.msk $0xffff, v0;
	s11 =	simm.s32 $0x0  }
0x1f4: {  	v0 =	vld [tilespmem:s11+$0xDBF0]  }
0x1f5: {  	v1 =	vld [tilespmem:s11+$0xDB80]  }
0x1f6: {  	v2 =	vld [tilespmem:s11+$0xDB90]  }
0x1f7: {  	v3 =	vld [tilespmem:s11+$0xDBA0]  }
0x1f8: {  	v4 =	vld [tilespmem:s11+$0xDBB0]  }
0x1f9: {  	v5 =	vld [tilespmem:s11+$0xDBC0]  }
0x1fa: {  	v6 =	vld [tilespmem:s11+$0xDBD0]  }
0x1fb: {  	[tilespmem:s11+$0x1BF0] =	vst.add.f32.msk $0xffff, v0  }
0x1fc: {  	v0 =	vld [tilespmem:s11+$0xDBE0]  }
0x1fd: {  	[tilespmem:s11+$0x1B80] =	vst.add.f32.msk $0xffff, v1  }
0x1fe: {  	[tilespmem:s11+$0x1B90] =	vst.add.f32.msk $0xffff, v2  }
0x1ff: {  	[tilespmem:s11+$0x1BA0] =	vst.add.f32.msk $0xffff, v3  }
0x200: {  	[tilespmem:s11+$0x1BB0] =	vst.add.f32.msk $0xffff, v4  }
0x201: {  	[tilespmem:s11+$0x1BC0] =	vst.add.f32.msk $0xffff, v5  }
0x202: {  	s12 =	simm.s32 $0x0;
	s13 =	simm.s32 $0x1000;
	[tilespmem:s11+$0x1BD0] =	vst.add.f32.msk $0xffff, v6  }
.LBB2_32:
0x203: {  	s12 =	sadd.s32 $0x80, s12;
	[tilespmem:s11+$0x1BE0] =	vst.add.f32.msk $0xffff, v0;
	s11 =	sshra.s32 s13, $0x2  }
0x204: {  	v0 =	vld [tilespmem:s11+$0xDBF0];
	p0 =	slt.u32 s12, $0x280  }
0x205: {  	v1 =	vld [tilespmem:s11+$0xDB80]  }
0x206: {  	v2 =	vld [tilespmem:s11+$0xDB90]  }
0x207: {  	v3 =	vld [tilespmem:s11+$0xDBA0]  }
0x208: {  	v4 =	vld [tilespmem:s11+$0xDBB0]  }
0x209: {  	[tilespmem:s11+$0x1BF0] =	vst.add.f32.msk $0xffff, v0  }
0x20a: {  	v5 =	vld [tilespmem:s11+$0xDBC0]  }
0x20b: {  	v6 =	vld [tilespmem:s11+$0xDBD0]  }
0x20c: {  	v0 =	vld [tilespmem:s11+$0xDBE0]  }
0x20d: {  	[tilespmem:s11+$0x1B80] =	vst.add.f32.msk $0xffff, v1  }
.Ltmp15:
0x20e: {  	[tilespmem:s11+$0x1B90] =	vst.add.f32.msk $0xffff, v2;
	(pc) =	sbr.rel @p0 .LBB2_32-.Ltmp15, $4  }
0x20f: {  	[tilespmem:s11+$0x1BA0] =	vst.add.f32.msk $0xffff, v3  }
0x210: {  	[tilespmem:s11+$0x1BB0] =	vst.add.f32.msk $0xffff, v4  }
0x211: {  	[tilespmem:s11+$0x1BC0] =	vst.add.f32.msk $0xffff, v5  }
0x212: {  	s13 =	sadd.s32 $0x1000, s13;
	[tilespmem:s11+$0x1BD0] =	vst.add.f32.msk $0xffff, v6  }
0x213: {  	[tilespmem:s11+$0x1BE0] =	vst.add.f32.msk $0xffff, v0;
	s11 =	simm.s32 $0x0  }
0x214: {  	v0 =	vld [tilespmem:s11+$0xF070]  }
0x215: {  	v1 =	vld [tilespmem:s11+$0xF000]  }
0x216: {  	v2 =	vld [tilespmem:s11+$0xF010]  }
0x217: {  	v3 =	vld [tilespmem:s11+$0xF020]  }
0x218: {  	v4 =	vld [tilespmem:s11+$0xF030]  }
0x219: {  	v5 =	vld [tilespmem:s11+$0xF040]  }
0x21a: {  	v6 =	vld [tilespmem:s11+$0xF050]  }
0x21b: {  	[tilespmem:s11+$0x3070] =	vst.add.f32.msk $0xffff, v0  }
0x21c: {  	v0 =	vld [tilespmem:s11+$0xF060]  }
0x21d: {  	[tilespmem:s11+$0x3000] =	vst.add.f32.msk $0xffff, v1  }
0x21e: {  	[tilespmem:s11+$0x3010] =	vst.add.f32.msk $0xffff, v2  }
0x21f: {  	[tilespmem:s11+$0x3020] =	vst.add.f32.msk $0xffff, v3  }
0x220: {  	[tilespmem:s11+$0x3030] =	vst.add.f32.msk $0xffff, v4  }
0x221: {  	[tilespmem:s11+$0x3040] =	vst.add.f32.msk $0xffff, v5  }
0x222: {  	s12 =	simm.s32 $0x0;
	s13 =	simm.s32 $0x1000;
	[tilespmem:s11+$0x3050] =	vst.add.f32.msk $0xffff, v6  }
.LBB2_34:
0x223: {  	s12 =	sadd.s32 $0x80, s12;
	[tilespmem:s11+$0x3060] =	vst.add.f32.msk $0xffff, v0;
	s11 =	sshra.s32 s13, $0x2  }
0x224: {  	v0 =	vld [tilespmem:s11+$0xF070];
	p0 =	slt.u32 s12, $0x280  }
0x225: {  	v1 =	vld [tilespmem:s11+$0xF000]  }
0x226: {  	v2 =	vld [tilespmem:s11+$0xF010]  }
0x227: {  	v3 =	vld [tilespmem:s11+$0xF020]  }
0x228: {  	v4 =	vld [tilespmem:s11+$0xF030]  }
0x229: {  	[tilespmem:s11+$0x3070] =	vst.add.f32.msk $0xffff, v0  }
0x22a: {  	v5 =	vld [tilespmem:s11+$0xF040]  }
0x22b: {  	v6 =	vld [tilespmem:s11+$0xF050]  }
0x22c: {  	v0 =	vld [tilespmem:s11+$0xF060]  }
0x22d: {  	[tilespmem:s11+$0x3000] =	vst.add.f32.msk $0xffff, v1  }
.Ltmp16:
0x22e: {  	[tilespmem:s11+$0x3010] =	vst.add.f32.msk $0xffff, v2;
	(pc) =	sbr.rel @p0 .LBB2_34-.Ltmp16, $4  }
0x22f: {  	[tilespmem:s11+$0x3020] =	vst.add.f32.msk $0xffff, v3  }
0x230: {  	[tilespmem:s11+$0x3030] =	vst.add.f32.msk $0xffff, v4  }
0x231: {  	[tilespmem:s11+$0x3040] =	vst.add.f32.msk $0xffff, v5  }
0x232: {  	s13 =	sadd.s32 $0x1000, s13;
	[tilespmem:s11+$0x3050] =	vst.add.f32.msk $0xffff, v6  }
0x233: {  	[tilespmem:s11+$0x3060] =	vst.add.f32.msk $0xffff, v0;
	s11 =	simm.s32 $0x0  }
0x234: {  	v0 =	vld [tilespmem:s11+$0xF0F0]  }
0x235: {  	v1 =	vld [tilespmem:s11+$0xF080]  }
0x236: {  	v2 =	vld [tilespmem:s11+$0xF090]  }
0x237: {  	v3 =	vld [tilespmem:s11+$0xF0A0]  }
0x238: {  	v4 =	vld [tilespmem:s11+$0xF0B0]  }
0x239: {  	v5 =	vld [tilespmem:s11+$0xF0C0]  }
0x23a: {  	v6 =	vld [tilespmem:s11+$0xF0D0]  }
0x23b: {  	[tilespmem:s11+$0x30F0] =	vst.add.f32.msk $0xffff, v0  }
0x23c: {  	v0 =	vld [tilespmem:s11+$0xF0E0]  }
0x23d: {  	[tilespmem:s11+$0x3080] =	vst.add.f32.msk $0xffff, v1  }
0x23e: {  	[tilespmem:s11+$0x3090] =	vst.add.f32.msk $0xffff, v2  }
0x23f: {  	[tilespmem:s11+$0x30A0] =	vst.add.f32.msk $0xffff, v3  }
0x240: {  	[tilespmem:s11+$0x30B0] =	vst.add.f32.msk $0xffff, v4  }
0x241: {  	[tilespmem:s11+$0x30C0] =	vst.add.f32.msk $0xffff, v5  }
0x242: {  	s12 =	simm.s32 $0x0;
	s13 =	simm.s32 $0x1000;
	[tilespmem:s11+$0x30D0] =	vst.add.f32.msk $0xffff, v6  }
.LBB2_36:
0x243: {  	s12 =	sadd.s32 $0x80, s12;
	[tilespmem:s11+$0x30E0] =	vst.add.f32.msk $0xffff, v0;
	s11 =	sshra.s32 s13, $0x2  }
0x244: {  	v0 =	vld [tilespmem:s11+$0xF0F0];
	p0 =	slt.u32 s12, $0x280  }
0x245: {  	v1 =	vld [tilespmem:s11+$0xF080]  }
0x246: {  	v2 =	vld [tilespmem:s11+$0xF090]  }
0x247: {  	v3 =	vld [tilespmem:s11+$0xF0A0]  }
0x248: {  	v4 =	vld [tilespmem:s11+$0xF0B0]  }
0x249: {  	[tilespmem:s11+$0x30F0] =	vst.add.f32.msk $0xffff, v0  }
0x24a: {  	v5 =	vld [tilespmem:s11+$0xF0C0]  }
0x24b: {  	v6 =	vld [tilespmem:s11+$0xF0D0]  }
0x24c: {  	v0 =	vld [tilespmem:s11+$0xF0E0]  }
0x24d: {  	[tilespmem:s11+$0x3080] =	vst.add.f32.msk $0xffff, v1  }
.Ltmp17:
0x24e: {  	[tilespmem:s11+$0x3090] =	vst.add.f32.msk $0xffff, v2;
	(pc) =	sbr.rel @p0 .LBB2_36-.Ltmp17, $4  }
0x24f: {  	[tilespmem:s11+$0x30A0] =	vst.add.f32.msk $0xffff, v3  }
0x250: {  	[tilespmem:s11+$0x30B0] =	vst.add.f32.msk $0xffff, v4  }
0x251: {  	[tilespmem:s11+$0x30C0] =	vst.add.f32.msk $0xffff, v5  }
0x252: {  	s13 =	sadd.s32 $0x1000, s13;
	[tilespmem:s11+$0x30D0] =	vst.add.f32.msk $0xffff, v6  }
0x253: {  	[tilespmem:s11+$0x30E0] =	vst.add.f32.msk $0xffff, v0;
	s11 =	simm.s32 $0x0  }
0x254: {  	v0 =	vld [tilespmem:s11+$0xF170]  }
0x255: {  	v1 =	vld [tilespmem:s11+$0xF100]  }
0x256: {  	v2 =	vld [tilespmem:s11+$0xF110]  }
0x257: {  	v3 =	vld [tilespmem:s11+$0xF120]  }
0x258: {  	v4 =	vld [tilespmem:s11+$0xF130]  }
0x259: {  	v5 =	vld [tilespmem:s11+$0xF140]  }
0x25a: {  	v6 =	vld [tilespmem:s11+$0xF150]  }
0x25b: {  	[tilespmem:s11+$0x3170] =	vst.add.f32.msk $0xffff, v0  }
0x25c: {  	v0 =	vld [tilespmem:s11+$0xF160]  }
0x25d: {  	[tilespmem:s11+$0x3100] =	vst.add.f32.msk $0xffff, v1  }
0x25e: {  	[tilespmem:s11+$0x3110] =	vst.add.f32.msk $0xffff, v2  }
0x25f: {  	[tilespmem:s11+$0x3120] =	vst.add.f32.msk $0xffff, v3  }
0x260: {  	[tilespmem:s11+$0x3130] =	vst.add.f32.msk $0xffff, v4  }
0x261: {  	[tilespmem:s11+$0x3140] =	vst.add.f32.msk $0xffff, v5  }
0x262: {  	s12 =	simm.s32 $0x0;
	s13 =	simm.s32 $0x1000;
	[tilespmem:s11+$0x3150] =	vst.add.f32.msk $0xffff, v6  }
.LBB2_38:
0x263: {  	s12 =	sadd.s32 $0x80, s12;
	[tilespmem:s11+$0x3160] =	vst.add.f32.msk $0xffff, v0;
	s11 =	sshra.s32 s13, $0x2  }
0x264: {  	v0 =	vld [tilespmem:s11+$0xF170];
	p0 =	slt.u32 s12, $0x280  }
0x265: {  	v1 =	vld [tilespmem:s11+$0xF100]  }
0x266: {  	v2 =	vld [tilespmem:s11+$0xF110]  }
0x267: {  	v3 =	vld [tilespmem:s11+$0xF120]  }
0x268: {  	v4 =	vld [tilespmem:s11+$0xF130]  }
0x269: {  	[tilespmem:s11+$0x3170] =	vst.add.f32.msk $0xffff, v0  }
0x26a: {  	v5 =	vld [tilespmem:s11+$0xF140]  }
0x26b: {  	v6 =	vld [tilespmem:s11+$0xF150]  }
0x26c: {  	v0 =	vld [tilespmem:s11+$0xF160]  }
0x26d: {  	[tilespmem:s11+$0x3100] =	vst.add.f32.msk $0xffff, v1  }
.Ltmp18:
0x26e: {  	[tilespmem:s11+$0x3110] =	vst.add.f32.msk $0xffff, v2;
	(pc) =	sbr.rel @p0 .LBB2_38-.Ltmp18, $4  }
0x26f: {  	[tilespmem:s11+$0x3120] =	vst.add.f32.msk $0xffff, v3  }
0x270: {  	[tilespmem:s11+$0x3130] =	vst.add.f32.msk $0xffff, v4  }
0x271: {  	[tilespmem:s11+$0x3140] =	vst.add.f32.msk $0xffff, v5  }
0x272: {  	s13 =	sadd.s32 $0x1000, s13;
	[tilespmem:s11+$0x3150] =	vst.add.f32.msk $0xffff, v6  }
0x273: {  	[tilespmem:s11+$0x3160] =	vst.add.f32.msk $0xffff, v0;
	s11 =	simm.s32 $0x0  }
0x274: {  	v0 =	vld [tilespmem:s11+$0xF1F0]  }
0x275: {  	v1 =	vld [tilespmem:s11+$0xF180]  }
0x276: {  	v2 =	vld [tilespmem:s11+$0xF190]  }
0x277: {  	v3 =	vld [tilespmem:s11+$0xF1A0]  }
0x278: {  	v4 =	vld [tilespmem:s11+$0xF1B0]  }
0x279: {  	v5 =	vld [tilespmem:s11+$0xF1C0]  }
0x27a: {  	v6 =	vld [tilespmem:s11+$0xF1D0]  }
0x27b: {  	[tilespmem:s11+$0x31F0] =	vst.add.f32.msk $0xffff, v0  }
0x27c: {  	v0 =	vld [tilespmem:s11+$0xF1E0]  }
0x27d: {  	[tilespmem:s11+$0x3180] =	vst.add.f32.msk $0xffff, v1  }
0x27e: {  	[tilespmem:s11+$0x3190] =	vst.add.f32.msk $0xffff, v2  }
0x27f: {  	[tilespmem:s11+$0x31A0] =	vst.add.f32.msk $0xffff, v3  }
0x280: {  	[tilespmem:s11+$0x31B0] =	vst.add.f32.msk $0xffff, v4  }
0x281: {  	[tilespmem:s11+$0x31C0] =	vst.add.f32.msk $0xffff, v5  }
0x282: {  	s12 =	simm.s32 $0x0;
	s13 =	simm.s32 $0x1000;
	[tilespmem:s11+$0x31D0] =	vst.add.f32.msk $0xffff, v6  }
.LBB2_40:
0x283: {  	s12 =	sadd.s32 $0x80, s12;
	[tilespmem:s11+$0x31E0] =	vst.add.f32.msk $0xffff, v0;
	s11 =	sshra.s32 s13, $0x2  }
0x284: {  	v0 =	vld [tilespmem:s11+$0xF1F0];
	p0 =	slt.u32 s12, $0x280  }
0x285: {  	v1 =	vld [tilespmem:s11+$0xF180]  }
0x286: {  	v2 =	vld [tilespmem:s11+$0xF190]  }
0x287: {  	v3 =	vld [tilespmem:s11+$0xF1A0]  }
0x288: {  	v4 =	vld [tilespmem:s11+$0xF1B0]  }
0x289: {  	[tilespmem:s11+$0x31F0] =	vst.add.f32.msk $0xffff, v0  }
0x28a: {  	v5 =	vld [tilespmem:s11+$0xF1C0]  }
0x28b: {  	v6 =	vld [tilespmem:s11+$0xF1D0]  }
0x28c: {  	v0 =	vld [tilespmem:s11+$0xF1E0]  }
0x28d: {  	[tilespmem:s11+$0x3180] =	vst.add.f32.msk $0xffff, v1  }
.Ltmp19:
0x28e: {  	[tilespmem:s11+$0x3190] =	vst.add.f32.msk $0xffff, v2;
	(pc) =	sbr.rel @p0 .LBB2_40-.Ltmp19, $4  }
0x28f: {  	[tilespmem:s11+$0x31A0] =	vst.add.f32.msk $0xffff, v3  }
0x290: {  	[tilespmem:s11+$0x31B0] =	vst.add.f32.msk $0xffff, v4  }
0x291: {  	[tilespmem:s11+$0x31C0] =	vst.add.f32.msk $0xffff, v5  }
0x292: {  	s13 =	sadd.s32 $0x1000, s13;
	[tilespmem:s11+$0x31D0] =	vst.add.f32.msk $0xffff, v6  }
0x293: {  	[tilespmem:s11+$0x31E0] =	vst.add.f32.msk $0xffff, v0;
	s11 =	simm.s32 $0x0  }
0x294: {  	v0 =	vld [tilespmem:s11+$0xF270]  }
0x295: {  	v1 =	vld [tilespmem:s11+$0xF200]  }
0x296: {  	v2 =	vld [tilespmem:s11+$0xF210]  }
0x297: {  	v3 =	vld [tilespmem:s11+$0xF220]  }
0x298: {  	v4 =	vld [tilespmem:s11+$0xF230]  }
0x299: {  	v5 =	vld [tilespmem:s11+$0xF240]  }
0x29a: {  	v6 =	vld [tilespmem:s11+$0xF250]  }
0x29b: {  	[tilespmem:s11+$0x3270] =	vst.add.f32.msk $0xffff, v0  }
0x29c: {  	v0 =	vld [tilespmem:s11+$0xF260]  }
0x29d: {  	[tilespmem:s11+$0x3200] =	vst.add.f32.msk $0xffff, v1  }
0x29e: {  	[tilespmem:s11+$0x3210] =	vst.add.f32.msk $0xffff, v2  }
0x29f: {  	[tilespmem:s11+$0x3220] =	vst.add.f32.msk $0xffff, v3  }
0x2a0: {  	[tilespmem:s11+$0x3230] =	vst.add.f32.msk $0xffff, v4  }
0x2a1: {  	[tilespmem:s11+$0x3240] =	vst.add.f32.msk $0xffff, v5  }
0x2a2: {  	s12 =	simm.s32 $0x0;
	s13 =	simm.s32 $0x1000;
	[tilespmem:s11+$0x3250] =	vst.add.f32.msk $0xffff, v6  }
.LBB2_42:
0x2a3: {  	s12 =	sadd.s32 $0x80, s12;
	[tilespmem:s11+$0x3260] =	vst.add.f32.msk $0xffff, v0;
	s11 =	sshra.s32 s13, $0x2  }
0x2a4: {  	v0 =	vld [tilespmem:s11+$0xF270];
	p0 =	slt.u32 s12, $0x280  }
0x2a5: {  	v1 =	vld [tilespmem:s11+$0xF200]  }
0x2a6: {  	v2 =	vld [tilespmem:s11+$0xF210]  }
0x2a7: {  	v3 =	vld [tilespmem:s11+$0xF220]  }
0x2a8: {  	v4 =	vld [tilespmem:s11+$0xF230]  }
0x2a9: {  	[tilespmem:s11+$0x3270] =	vst.add.f32.msk $0xffff, v0  }
0x2aa: {  	v5 =	vld [tilespmem:s11+$0xF240]  }
0x2ab: {  	v6 =	vld [tilespmem:s11+$0xF250]  }
0x2ac: {  	v0 =	vld [tilespmem:s11+$0xF260]  }
0x2ad: {  	[tilespmem:s11+$0x3200] =	vst.add.f32.msk $0xffff, v1  }
.Ltmp20:
0x2ae: {  	[tilespmem:s11+$0x3210] =	vst.add.f32.msk $0xffff, v2;
	(pc) =	sbr.rel @p0 .LBB2_42-.Ltmp20, $4  }
0x2af: {  	[tilespmem:s11+$0x3220] =	vst.add.f32.msk $0xffff, v3  }
0x2b0: {  	[tilespmem:s11+$0x3230] =	vst.add.f32.msk $0xffff, v4  }
0x2b1: {  	[tilespmem:s11+$0x3240] =	vst.add.f32.msk $0xffff, v5  }
0x2b2: {  	s13 =	sadd.s32 $0x1000, s13;
	[tilespmem:s11+$0x3250] =	vst.add.f32.msk $0xffff, v6  }
0x2b3: {  	[tilespmem:s11+$0x3260] =	vst.add.f32.msk $0xffff, v0;
	s11 =	simm.s32 $0x0  }
0x2b4: {  	v0 =	vld [tilespmem:s11+$0xF2F0]  }
0x2b5: {  	v1 =	vld [tilespmem:s11+$0xF280]  }
0x2b6: {  	v2 =	vld [tilespmem:s11+$0xF290]  }
0x2b7: {  	v3 =	vld [tilespmem:s11+$0xF2A0]  }
0x2b8: {  	v4 =	vld [tilespmem:s11+$0xF2B0]  }
0x2b9: {  	v5 =	vld [tilespmem:s11+$0xF2C0]  }
0x2ba: {  	v6 =	vld [tilespmem:s11+$0xF2D0]  }
0x2bb: {  	[tilespmem:s11+$0x32F0] =	vst.add.f32.msk $0xffff, v0  }
0x2bc: {  	v0 =	vld [tilespmem:s11+$0xF2E0]  }
0x2bd: {  	[tilespmem:s11+$0x3280] =	vst.add.f32.msk $0xffff, v1  }
0x2be: {  	[tilespmem:s11+$0x3290] =	vst.add.f32.msk $0xffff, v2  }
0x2bf: {  	[tilespmem:s11+$0x32A0] =	vst.add.f32.msk $0xffff, v3  }
0x2c0: {  	[tilespmem:s11+$0x32B0] =	vst.add.f32.msk $0xffff, v4  }
0x2c1: {  	[tilespmem:s11+$0x32C0] =	vst.add.f32.msk $0xffff, v5  }
0x2c2: {  	s12 =	simm.s32 $0x0;
	s13 =	simm.s32 $0x1000;
	[tilespmem:s11+$0x32D0] =	vst.add.f32.msk $0xffff, v6  }
.LBB2_44:
0x2c3: {  	s12 =	sadd.s32 $0x80, s12;
	[tilespmem:s11+$0x32E0] =	vst.add.f32.msk $0xffff, v0;
	s11 =	sshra.s32 s13, $0x2  }
0x2c4: {  	v0 =	vld [tilespmem:s11+$0xF2F0];
	p0 =	slt.u32 s12, $0x280  }
0x2c5: {  	v1 =	vld [tilespmem:s11+$0xF280]  }
0x2c6: {  	v2 =	vld [tilespmem:s11+$0xF290]  }
0x2c7: {  	v3 =	vld [tilespmem:s11+$0xF2A0]  }
0x2c8: {  	v4 =	vld [tilespmem:s11+$0xF2B0]  }
0x2c9: {  	[tilespmem:s11+$0x32F0] =	vst.add.f32.msk $0xffff, v0  }
0x2ca: {  	v5 =	vld [tilespmem:s11+$0xF2C0]  }
0x2cb: {  	v6 =	vld [tilespmem:s11+$0xF2D0]  }
0x2cc: {  	v0 =	vld [tilespmem:s11+$0xF2E0]  }
0x2cd: {  	[tilespmem:s11+$0x3280] =	vst.add.f32.msk $0xffff, v1  }
.Ltmp21:
0x2ce: {  	[tilespmem:s11+$0x3290] =	vst.add.f32.msk $0xffff, v2;
	(pc) =	sbr.rel @p0 .LBB2_44-.Ltmp21, $4  }
0x2cf: {  	[tilespmem:s11+$0x32A0] =	vst.add.f32.msk $0xffff, v3  }
0x2d0: {  	[tilespmem:s11+$0x32B0] =	vst.add.f32.msk $0xffff, v4  }
0x2d1: {  	[tilespmem:s11+$0x32C0] =	vst.add.f32.msk $0xffff, v5  }
0x2d2: {  	s13 =	sadd.s32 $0x1000, s13;
	[tilespmem:s11+$0x32D0] =	vst.add.f32.msk $0xffff, v6  }
0x2d3: {  	[tilespmem:s11+$0x32E0] =	vst.add.f32.msk $0xffff, v0;
	s11 =	simm.s32 $0x0  }
0x2d4: {  	v0 =	vld [tilespmem:s11+$0xF370]  }
0x2d5: {  	v1 =	vld [tilespmem:s11+$0xF300]  }
0x2d6: {  	v2 =	vld [tilespmem:s11+$0xF310]  }
0x2d7: {  	v3 =	vld [tilespmem:s11+$0xF320]  }
0x2d8: {  	v4 =	vld [tilespmem:s11+$0xF330]  }
0x2d9: {  	v5 =	vld [tilespmem:s11+$0xF340]  }
0x2da: {  	v6 =	vld [tilespmem:s11+$0xF350]  }
0x2db: {  	[tilespmem:s11+$0x3370] =	vst.add.f32.msk $0xffff, v0  }
0x2dc: {  	v0 =	vld [tilespmem:s11+$0xF360]  }
0x2dd: {  	[tilespmem:s11+$0x3300] =	vst.add.f32.msk $0xffff, v1  }
0x2de: {  	[tilespmem:s11+$0x3310] =	vst.add.f32.msk $0xffff, v2  }
0x2df: {  	[tilespmem:s11+$0x3320] =	vst.add.f32.msk $0xffff, v3  }
0x2e0: {  	[tilespmem:s11+$0x3330] =	vst.add.f32.msk $0xffff, v4  }
0x2e1: {  	[tilespmem:s11+$0x3340] =	vst.add.f32.msk $0xffff, v5  }
0x2e2: {  	s12 =	simm.s32 $0x0;
	s13 =	simm.s32 $0x1000;
	[tilespmem:s11+$0x3350] =	vst.add.f32.msk $0xffff, v6  }
.LBB2_46:
0x2e3: {  	s12 =	sadd.s32 $0x80, s12;
	[tilespmem:s11+$0x3360] =	vst.add.f32.msk $0xffff, v0;
	s11 =	sshra.s32 s13, $0x2  }
0x2e4: {  	v0 =	vld [tilespmem:s11+$0xF370];
	p0 =	slt.u32 s12, $0x280  }
0x2e5: {  	v1 =	vld [tilespmem:s11+$0xF300]  }
0x2e6: {  	v2 =	vld [tilespmem:s11+$0xF310]  }
0x2e7: {  	v3 =	vld [tilespmem:s11+$0xF320]  }
0x2e8: {  	v4 =	vld [tilespmem:s11+$0xF330]  }
0x2e9: {  	[tilespmem:s11+$0x3370] =	vst.add.f32.msk $0xffff, v0  }
0x2ea: {  	v5 =	vld [tilespmem:s11+$0xF340]  }
0x2eb: {  	v6 =	vld [tilespmem:s11+$0xF350]  }
0x2ec: {  	v0 =	vld [tilespmem:s11+$0xF360]  }
0x2ed: {  	[tilespmem:s11+$0x3300] =	vst.add.f32.msk $0xffff, v1  }
.Ltmp22:
0x2ee: {  	[tilespmem:s11+$0x3310] =	vst.add.f32.msk $0xffff, v2;
	(pc) =	sbr.rel @p0 .LBB2_46-.Ltmp22, $4  }
0x2ef: {  	[tilespmem:s11+$0x3320] =	vst.add.f32.msk $0xffff, v3  }
0x2f0: {  	[tilespmem:s11+$0x3330] =	vst.add.f32.msk $0xffff, v4  }
0x2f1: {  	[tilespmem:s11+$0x3340] =	vst.add.f32.msk $0xffff, v5  }
0x2f2: {  	s13 =	sadd.s32 $0x1000, s13;
	[tilespmem:s11+$0x3350] =	vst.add.f32.msk $0xffff, v6  }
0x2f3: {  	[tilespmem:s11+$0x3360] =	vst.add.f32.msk $0xffff, v0;
	s11 =	simm.s32 $0x0  }
0x2f4: {  	v0 =	vld [tilespmem:s11+$0xF3F0]  }
0x2f5: {  	v1 =	vld [tilespmem:s11+$0xF380]  }
0x2f6: {  	v2 =	vld [tilespmem:s11+$0xF390]  }
0x2f7: {  	v3 =	vld [tilespmem:s11+$0xF3A0]  }
0x2f8: {  	v4 =	vld [tilespmem:s11+$0xF3B0]  }
0x2f9: {  	v5 =	vld [tilespmem:s11+$0xF3C0]  }
0x2fa: {  	v6 =	vld [tilespmem:s11+$0xF3D0]  }
0x2fb: {  	[tilespmem:s11+$0x33F0] =	vst.add.f32.msk $0xffff, v0  }
0x2fc: {  	v0 =	vld [tilespmem:s11+$0xF3E0]  }
0x2fd: {  	[tilespmem:s11+$0x3380] =	vst.add.f32.msk $0xffff, v1  }
0x2fe: {  	[tilespmem:s11+$0x3390] =	vst.add.f32.msk $0xffff, v2  }
0x2ff: {  	[tilespmem:s11+$0x33A0] =	vst.add.f32.msk $0xffff, v3  }
0x300: {  	[tilespmem:s11+$0x33B0] =	vst.add.f32.msk $0xffff, v4  }
0x301: {  	[tilespmem:s11+$0x33C0] =	vst.add.f32.msk $0xffff, v5  }
0x302: {  	s12 =	simm.s32 $0x0;
	s13 =	simm.s32 $0x1000;
	[tilespmem:s11+$0x33D0] =	vst.add.f32.msk $0xffff, v6  }
.LBB2_48:
0x303: {  	s12 =	sadd.s32 $0x80, s12;
	[tilespmem:s11+$0x33E0] =	vst.add.f32.msk $0xffff, v0;
	s11 =	sshra.s32 s13, $0x2  }
0x304: {  	v0 =	vld [tilespmem:s11+$0xF3F0];
	p0 =	slt.u32 s12, $0x280  }
0x305: {  	v1 =	vld [tilespmem:s11+$0xF380]  }
0x306: {  	v2 =	vld [tilespmem:s11+$0xF390]  }
0x307: {  	v3 =	vld [tilespmem:s11+$0xF3A0]  }
0x308: {  	v4 =	vld [tilespmem:s11+$0xF3B0]  }
0x309: {  	[tilespmem:s11+$0x33F0] =	vst.add.f32.msk $0xffff, v0  }
0x30a: {  	v5 =	vld [tilespmem:s11+$0xF3C0]  }
0x30b: {  	v6 =	vld [tilespmem:s11+$0xF3D0]  }
0x30c: {  	v0 =	vld [tilespmem:s11+$0xF3E0]  }
0x30d: {  	[tilespmem:s11+$0x3380] =	vst.add.f32.msk $0xffff, v1  }
.Ltmp23:
0x30e: {  	[tilespmem:s11+$0x3390] =	vst.add.f32.msk $0xffff, v2;
	(pc) =	sbr.rel @p0 .LBB2_48-.Ltmp23, $4  }
0x30f: {  	[tilespmem:s11+$0x33A0] =	vst.add.f32.msk $0xffff, v3  }
0x310: {  	[tilespmem:s11+$0x33B0] =	vst.add.f32.msk $0xffff, v4  }
0x311: {  	[tilespmem:s11+$0x33C0] =	vst.add.f32.msk $0xffff, v5  }
0x312: {  	s13 =	sadd.s32 $0x1000, s13;
	[tilespmem:s11+$0x33D0] =	vst.add.f32.msk $0xffff, v6  }
0x313: {  	[tilespmem:s11+$0x33E0] =	vst.add.f32.msk $0xffff, v0;
	s11 =	simm.s32 $0x0  }
0x314: {  	v0 =	vld [tilespmem:s11+$0x10870]  }
0x315: {  	v1 =	vld [tilespmem:s11+$0x10800]  }
0x316: {  	v2 =	vld [tilespmem:s11+$0x10810]  }
0x317: {  	v3 =	vld [tilespmem:s11+$0x10820]  }
0x318: {  	v4 =	vld [tilespmem:s11+$0x10830]  }
0x319: {  	v5 =	vld [tilespmem:s11+$0x10840]  }
0x31a: {  	v6 =	vld [tilespmem:s11+$0x10850]  }
0x31b: {  	[tilespmem:s11+$0x4870] =	vst.add.f32.msk $0xffff, v0  }
0x31c: {  	v0 =	vld [tilespmem:s11+$0x10860]  }
0x31d: {  	[tilespmem:s11+$0x4800] =	vst.add.f32.msk $0xffff, v1  }
0x31e: {  	[tilespmem:s11+$0x4810] =	vst.add.f32.msk $0xffff, v2  }
0x31f: {  	[tilespmem:s11+$0x4820] =	vst.add.f32.msk $0xffff, v3  }
0x320: {  	[tilespmem:s11+$0x4830] =	vst.add.f32.msk $0xffff, v4  }
0x321: {  	[tilespmem:s11+$0x4840] =	vst.add.f32.msk $0xffff, v5  }
0x322: {  	s12 =	simm.s32 $0x0;
	s13 =	simm.s32 $0x1000;
	[tilespmem:s11+$0x4850] =	vst.add.f32.msk $0xffff, v6  }
.LBB2_50:
0x323: {  	s12 =	sadd.s32 $0x80, s12;
	[tilespmem:s11+$0x4860] =	vst.add.f32.msk $0xffff, v0;
	s11 =	sshra.s32 s13, $0x2  }
0x324: {  	v0 =	vld [tilespmem:s11+$0x10870];
	p0 =	slt.u32 s12, $0x280  }
0x325: {  	v1 =	vld [tilespmem:s11+$0x10800]  }
0x326: {  	v2 =	vld [tilespmem:s11+$0x10810]  }
0x327: {  	v3 =	vld [tilespmem:s11+$0x10820]  }
0x328: {  	v4 =	vld [tilespmem:s11+$0x10830]  }
0x329: {  	[tilespmem:s11+$0x4870] =	vst.add.f32.msk $0xffff, v0  }
0x32a: {  	v5 =	vld [tilespmem:s11+$0x10840]  }
0x32b: {  	v6 =	vld [tilespmem:s11+$0x10850]  }
0x32c: {  	v0 =	vld [tilespmem:s11+$0x10860]  }
0x32d: {  	[tilespmem:s11+$0x4800] =	vst.add.f32.msk $0xffff, v1  }
.Ltmp24:
0x32e: {  	[tilespmem:s11+$0x4810] =	vst.add.f32.msk $0xffff, v2;
	(pc) =	sbr.rel @p0 .LBB2_50-.Ltmp24, $4  }
0x32f: {  	[tilespmem:s11+$0x4820] =	vst.add.f32.msk $0xffff, v3  }
0x330: {  	[tilespmem:s11+$0x4830] =	vst.add.f32.msk $0xffff, v4  }
0x331: {  	[tilespmem:s11+$0x4840] =	vst.add.f32.msk $0xffff, v5  }
0x332: {  	s13 =	sadd.s32 $0x1000, s13;
	[tilespmem:s11+$0x4850] =	vst.add.f32.msk $0xffff, v6  }
0x333: {  	[tilespmem:s11+$0x4860] =	vst.add.f32.msk $0xffff, v0;
	s11 =	simm.s32 $0x0  }
0x334: {  	v0 =	vld [tilespmem:s11+$0x108F0]  }
0x335: {  	v1 =	vld [tilespmem:s11+$0x10880]  }
0x336: {  	v2 =	vld [tilespmem:s11+$0x10890]  }
0x337: {  	v3 =	vld [tilespmem:s11+$0x108A0]  }
0x338: {  	v4 =	vld [tilespmem:s11+$0x108B0]  }
0x339: {  	v5 =	vld [tilespmem:s11+$0x108C0]  }
0x33a: {  	v6 =	vld [tilespmem:s11+$0x108D0]  }
0x33b: {  	[tilespmem:s11+$0x48F0] =	vst.add.f32.msk $0xffff, v0  }
0x33c: {  	v0 =	vld [tilespmem:s11+$0x108E0]  }
0x33d: {  	[tilespmem:s11+$0x4880] =	vst.add.f32.msk $0xffff, v1  }
0x33e: {  	[tilespmem:s11+$0x4890] =	vst.add.f32.msk $0xffff, v2  }
0x33f: {  	[tilespmem:s11+$0x48A0] =	vst.add.f32.msk $0xffff, v3  }
0x340: {  	[tilespmem:s11+$0x48B0] =	vst.add.f32.msk $0xffff, v4  }
0x341: {  	[tilespmem:s11+$0x48C0] =	vst.add.f32.msk $0xffff, v5  }
0x342: {  	s12 =	simm.s32 $0x0;
	s13 =	simm.s32 $0x1000;
	[tilespmem:s11+$0x48D0] =	vst.add.f32.msk $0xffff, v6  }
.LBB2_52:
0x343: {  	s12 =	sadd.s32 $0x80, s12;
	[tilespmem:s11+$0x48E0] =	vst.add.f32.msk $0xffff, v0;
	s11 =	sshra.s32 s13, $0x2  }
0x344: {  	v0 =	vld [tilespmem:s11+$0x108F0];
	p0 =	slt.u32 s12, $0x280  }
0x345: {  	v1 =	vld [tilespmem:s11+$0x10880]  }
0x346: {  	v2 =	vld [tilespmem:s11+$0x10890]  }
0x347: {  	v3 =	vld [tilespmem:s11+$0x108A0]  }
0x348: {  	v4 =	vld [tilespmem:s11+$0x108B0]  }
0x349: {  	[tilespmem:s11+$0x48F0] =	vst.add.f32.msk $0xffff, v0  }
0x34a: {  	v5 =	vld [tilespmem:s11+$0x108C0]  }
0x34b: {  	v6 =	vld [tilespmem:s11+$0x108D0]  }
0x34c: {  	v0 =	vld [tilespmem:s11+$0x108E0]  }
0x34d: {  	[tilespmem:s11+$0x4880] =	vst.add.f32.msk $0xffff, v1  }
.Ltmp25:
0x34e: {  	[tilespmem:s11+$0x4890] =	vst.add.f32.msk $0xffff, v2;
	(pc) =	sbr.rel @p0 .LBB2_52-.Ltmp25, $4  }
0x34f: {  	[tilespmem:s11+$0x48A0] =	vst.add.f32.msk $0xffff, v3  }
0x350: {  	[tilespmem:s11+$0x48B0] =	vst.add.f32.msk $0xffff, v4  }
0x351: {  	[tilespmem:s11+$0x48C0] =	vst.add.f32.msk $0xffff, v5  }
0x352: {  	s13 =	sadd.s32 $0x1000, s13;
	[tilespmem:s11+$0x48D0] =	vst.add.f32.msk $0xffff, v6  }
0x353: {  	[tilespmem:s11+$0x48E0] =	vst.add.f32.msk $0xffff, v0;
	s11 =	simm.s32 $0x0  }
0x354: {  	v0 =	vld [tilespmem:s11+$0x10970]  }
0x355: {  	v1 =	vld [tilespmem:s11+$0x10900]  }
0x356: {  	v2 =	vld [tilespmem:s11+$0x10910]  }
0x357: {  	v3 =	vld [tilespmem:s11+$0x10920]  }
0x358: {  	v4 =	vld [tilespmem:s11+$0x10930]  }
0x359: {  	v5 =	vld [tilespmem:s11+$0x10940]  }
0x35a: {  	v6 =	vld [tilespmem:s11+$0x10950]  }
0x35b: {  	[tilespmem:s11+$0x4970] =	vst.add.f32.msk $0xffff, v0  }
0x35c: {  	v0 =	vld [tilespmem:s11+$0x10960]  }
0x35d: {  	[tilespmem:s11+$0x4900] =	vst.add.f32.msk $0xffff, v1  }
0x35e: {  	[tilespmem:s11+$0x4910] =	vst.add.f32.msk $0xffff, v2  }
0x35f: {  	[tilespmem:s11+$0x4920] =	vst.add.f32.msk $0xffff, v3  }
0x360: {  	[tilespmem:s11+$0x4930] =	vst.add.f32.msk $0xffff, v4  }
0x361: {  	[tilespmem:s11+$0x4940] =	vst.add.f32.msk $0xffff, v5  }
0x362: {  	s12 =	simm.s32 $0x0;
	s13 =	simm.s32 $0x1000;
	[tilespmem:s11+$0x4950] =	vst.add.f32.msk $0xffff, v6  }
.LBB2_54:
0x363: {  	s12 =	sadd.s32 $0x80, s12;
	[tilespmem:s11+$0x4960] =	vst.add.f32.msk $0xffff, v0;
	s11 =	sshra.s32 s13, $0x2  }
0x364: {  	v0 =	vld [tilespmem:s11+$0x10970];
	p0 =	slt.u32 s12, $0x280  }
0x365: {  	v1 =	vld [tilespmem:s11+$0x10900]  }
0x366: {  	v2 =	vld [tilespmem:s11+$0x10910]  }
0x367: {  	v3 =	vld [tilespmem:s11+$0x10920]  }
0x368: {  	v4 =	vld [tilespmem:s11+$0x10930]  }
0x369: {  	[tilespmem:s11+$0x4970] =	vst.add.f32.msk $0xffff, v0  }
0x36a: {  	v5 =	vld [tilespmem:s11+$0x10940]  }
0x36b: {  	v6 =	vld [tilespmem:s11+$0x10950]  }
0x36c: {  	v0 =	vld [tilespmem:s11+$0x10960]  }
0x36d: {  	[tilespmem:s11+$0x4900] =	vst.add.f32.msk $0xffff, v1  }
.Ltmp26:
0x36e: {  	[tilespmem:s11+$0x4910] =	vst.add.f32.msk $0xffff, v2;
	(pc) =	sbr.rel @p0 .LBB2_54-.Ltmp26, $4  }
0x36f: {  	[tilespmem:s11+$0x4920] =	vst.add.f32.msk $0xffff, v3  }
0x370: {  	[tilespmem:s11+$0x4930] =	vst.add.f32.msk $0xffff, v4  }
0x371: {  	[tilespmem:s11+$0x4940] =	vst.add.f32.msk $0xffff, v5  }
0x372: {  	s13 =	sadd.s32 $0x1000, s13;
	[tilespmem:s11+$0x4950] =	vst.add.f32.msk $0xffff, v6  }
0x373: {  	[tilespmem:s11+$0x4960] =	vst.add.f32.msk $0xffff, v0;
	s11 =	simm.s32 $0x0  }
0x374: {  	v0 =	vld [tilespmem:s11+$0x109F0]  }
0x375: {  	v1 =	vld [tilespmem:s11+$0x10980]  }
0x376: {  	v2 =	vld [tilespmem:s11+$0x10990]  }
0x377: {  	v3 =	vld [tilespmem:s11+$0x109A0]  }
0x378: {  	v4 =	vld [tilespmem:s11+$0x109B0]  }
0x379: {  	v5 =	vld [tilespmem:s11+$0x109C0]  }
0x37a: {  	v6 =	vld [tilespmem:s11+$0x109D0]  }
0x37b: {  	[tilespmem:s11+$0x49F0] =	vst.add.f32.msk $0xffff, v0  }
0x37c: {  	v0 =	vld [tilespmem:s11+$0x109E0]  }
0x37d: {  	[tilespmem:s11+$0x4980] =	vst.add.f32.msk $0xffff, v1  }
0x37e: {  	[tilespmem:s11+$0x4990] =	vst.add.f32.msk $0xffff, v2  }
0x37f: {  	[tilespmem:s11+$0x49A0] =	vst.add.f32.msk $0xffff, v3  }
0x380: {  	[tilespmem:s11+$0x49B0] =	vst.add.f32.msk $0xffff, v4  }
0x381: {  	[tilespmem:s11+$0x49C0] =	vst.add.f32.msk $0xffff, v5  }
0x382: {  	s12 =	simm.s32 $0x0;
	s13 =	simm.s32 $0x1000;
	[tilespmem:s11+$0x49D0] =	vst.add.f32.msk $0xffff, v6  }
.LBB2_56:
0x383: {  	s12 =	sadd.s32 $0x80, s12;
	[tilespmem:s11+$0x49E0] =	vst.add.f32.msk $0xffff, v0;
	s11 =	sshra.s32 s13, $0x2  }
0x384: {  	v0 =	vld [tilespmem:s11+$0x109F0];
	p0 =	slt.u32 s12, $0x280  }
0x385: {  	v1 =	vld [tilespmem:s11+$0x10980]  }
0x386: {  	v2 =	vld [tilespmem:s11+$0x10990]  }
0x387: {  	v3 =	vld [tilespmem:s11+$0x109A0]  }
0x388: {  	v4 =	vld [tilespmem:s11+$0x109B0]  }
0x389: {  	[tilespmem:s11+$0x49F0] =	vst.add.f32.msk $0xffff, v0  }
0x38a: {  	v5 =	vld [tilespmem:s11+$0x109C0]  }
0x38b: {  	v6 =	vld [tilespmem:s11+$0x109D0]  }
0x38c: {  	v0 =	vld [tilespmem:s11+$0x109E0]  }
0x38d: {  	[tilespmem:s11+$0x4980] =	vst.add.f32.msk $0xffff, v1  }
.Ltmp27:
0x38e: {  	[tilespmem:s11+$0x4990] =	vst.add.f32.msk $0xffff, v2;
	(pc) =	sbr.rel @p0 .LBB2_56-.Ltmp27, $4  }
0x38f: {  	[tilespmem:s11+$0x49A0] =	vst.add.f32.msk $0xffff, v3  }
0x390: {  	[tilespmem:s11+$0x49B0] =	vst.add.f32.msk $0xffff, v4  }
0x391: {  	[tilespmem:s11+$0x49C0] =	vst.add.f32.msk $0xffff, v5  }
0x392: {  	s13 =	sadd.s32 $0x1000, s13;
	[tilespmem:s11+$0x49D0] =	vst.add.f32.msk $0xffff, v6  }
0x393: {  	[tilespmem:s11+$0x49E0] =	vst.add.f32.msk $0xffff, v0;
	s11 =	simm.s32 $0x0  }
0x394: {  	v0 =	vld [tilespmem:s11+$0x10A70]  }
0x395: {  	v1 =	vld [tilespmem:s11+$0x10A00]  }
0x396: {  	v2 =	vld [tilespmem:s11+$0x10A10]  }
0x397: {  	v3 =	vld [tilespmem:s11+$0x10A20]  }
0x398: {  	v4 =	vld [tilespmem:s11+$0x10A30]  }
0x399: {  	v5 =	vld [tilespmem:s11+$0x10A40]  }
0x39a: {  	v6 =	vld [tilespmem:s11+$0x10A50]  }
0x39b: {  	[tilespmem:s11+$0x4A70] =	vst.add.f32.msk $0xffff, v0  }
0x39c: {  	v0 =	vld [tilespmem:s11+$0x10A60]  }
0x39d: {  	[tilespmem:s11+$0x4A00] =	vst.add.f32.msk $0xffff, v1  }
0x39e: {  	[tilespmem:s11+$0x4A10] =	vst.add.f32.msk $0xffff, v2  }
0x39f: {  	[tilespmem:s11+$0x4A20] =	vst.add.f32.msk $0xffff, v3  }
0x3a0: {  	[tilespmem:s11+$0x4A30] =	vst.add.f32.msk $0xffff, v4  }
0x3a1: {  	[tilespmem:s11+$0x4A40] =	vst.add.f32.msk $0xffff, v5  }
0x3a2: {  	s12 =	simm.s32 $0x0;
	s13 =	simm.s32 $0x1000;
	[tilespmem:s11+$0x4A50] =	vst.add.f32.msk $0xffff, v6  }
.LBB2_58:
0x3a3: {  	s12 =	sadd.s32 $0x80, s12;
	[tilespmem:s11+$0x4A60] =	vst.add.f32.msk $0xffff, v0;
	s11 =	sshra.s32 s13, $0x2  }
0x3a4: {  	v0 =	vld [tilespmem:s11+$0x10A70];
	p0 =	slt.u32 s12, $0x280  }
0x3a5: {  	v1 =	vld [tilespmem:s11+$0x10A00]  }
0x3a6: {  	v2 =	vld [tilespmem:s11+$0x10A10]  }
0x3a7: {  	v3 =	vld [tilespmem:s11+$0x10A20]  }
0x3a8: {  	v4 =	vld [tilespmem:s11+$0x10A30]  }
0x3a9: {  	[tilespmem:s11+$0x4A70] =	vst.add.f32.msk $0xffff, v0  }
0x3aa: {  	v5 =	vld [tilespmem:s11+$0x10A40]  }
0x3ab: {  	v6 =	vld [tilespmem:s11+$0x10A50]  }
0x3ac: {  	v0 =	vld [tilespmem:s11+$0x10A60]  }
0x3ad: {  	[tilespmem:s11+$0x4A00] =	vst.add.f32.msk $0xffff, v1  }
.Ltmp28:
0x3ae: {  	[tilespmem:s11+$0x4A10] =	vst.add.f32.msk $0xffff, v2;
	(pc) =	sbr.rel @p0 .LBB2_58-.Ltmp28, $4  }
0x3af: {  	[tilespmem:s11+$0x4A20] =	vst.add.f32.msk $0xffff, v3  }
0x3b0: {  	[tilespmem:s11+$0x4A30] =	vst.add.f32.msk $0xffff, v4  }
0x3b1: {  	[tilespmem:s11+$0x4A40] =	vst.add.f32.msk $0xffff, v5  }
0x3b2: {  	s13 =	sadd.s32 $0x1000, s13;
	[tilespmem:s11+$0x4A50] =	vst.add.f32.msk $0xffff, v6  }
0x3b3: {  	[tilespmem:s11+$0x4A60] =	vst.add.f32.msk $0xffff, v0;
	s11 =	simm.s32 $0x0  }
0x3b4: {  	v0 =	vld [tilespmem:s11+$0x10AF0]  }
0x3b5: {  	v1 =	vld [tilespmem:s11+$0x10A80]  }
0x3b6: {  	v2 =	vld [tilespmem:s11+$0x10A90]  }
0x3b7: {  	v3 =	vld [tilespmem:s11+$0x10AA0]  }
0x3b8: {  	v4 =	vld [tilespmem:s11+$0x10AB0]  }
0x3b9: {  	v5 =	vld [tilespmem:s11+$0x10AC0]  }
0x3ba: {  	v6 =	vld [tilespmem:s11+$0x10AD0]  }
0x3bb: {  	[tilespmem:s11+$0x4AF0] =	vst.add.f32.msk $0xffff, v0  }
0x3bc: {  	v0 =	vld [tilespmem:s11+$0x10AE0]  }
0x3bd: {  	[tilespmem:s11+$0x4A80] =	vst.add.f32.msk $0xffff, v1  }
0x3be: {  	[tilespmem:s11+$0x4A90] =	vst.add.f32.msk $0xffff, v2  }
0x3bf: {  	[tilespmem:s11+$0x4AA0] =	vst.add.f32.msk $0xffff, v3  }
0x3c0: {  	[tilespmem:s11+$0x4AB0] =	vst.add.f32.msk $0xffff, v4  }
0x3c1: {  	[tilespmem:s11+$0x4AC0] =	vst.add.f32.msk $0xffff, v5  }
0x3c2: {  	s12 =	simm.s32 $0x0;
	s13 =	simm.s32 $0x1000;
	[tilespmem:s11+$0x4AD0] =	vst.add.f32.msk $0xffff, v6  }
.LBB2_60:
0x3c3: {  	s12 =	sadd.s32 $0x80, s12;
	[tilespmem:s11+$0x4AE0] =	vst.add.f32.msk $0xffff, v0;
	s11 =	sshra.s32 s13, $0x2  }
0x3c4: {  	v0 =	vld [tilespmem:s11+$0x10AF0];
	p0 =	slt.u32 s12, $0x280  }
0x3c5: {  	v1 =	vld [tilespmem:s11+$0x10A80]  }
0x3c6: {  	v2 =	vld [tilespmem:s11+$0x10A90]  }
0x3c7: {  	v3 =	vld [tilespmem:s11+$0x10AA0]  }
0x3c8: {  	v4 =	vld [tilespmem:s11+$0x10AB0]  }
0x3c9: {  	[tilespmem:s11+$0x4AF0] =	vst.add.f32.msk $0xffff, v0  }
0x3ca: {  	v5 =	vld [tilespmem:s11+$0x10AC0]  }
0x3cb: {  	v6 =	vld [tilespmem:s11+$0x10AD0]  }
0x3cc: {  	v0 =	vld [tilespmem:s11+$0x10AE0]  }
0x3cd: {  	[tilespmem:s11+$0x4A80] =	vst.add.f32.msk $0xffff, v1  }
.Ltmp29:
0x3ce: {  	[tilespmem:s11+$0x4A90] =	vst.add.f32.msk $0xffff, v2;
	(pc) =	sbr.rel @p0 .LBB2_60-.Ltmp29, $4  }
0x3cf: {  	[tilespmem:s11+$0x4AA0] =	vst.add.f32.msk $0xffff, v3  }
0x3d0: {  	[tilespmem:s11+$0x4AB0] =	vst.add.f32.msk $0xffff, v4  }
0x3d1: {  	[tilespmem:s11+$0x4AC0] =	vst.add.f32.msk $0xffff, v5  }
0x3d2: {  	s13 =	sadd.s32 $0x1000, s13;
	[tilespmem:s11+$0x4AD0] =	vst.add.f32.msk $0xffff, v6  }
0x3d3: {  	[tilespmem:s11+$0x4AE0] =	vst.add.f32.msk $0xffff, v0;
	s11 =	simm.s32 $0x0  }
0x3d4: {  	v0 =	vld [tilespmem:s11+$0x10B70]  }
0x3d5: {  	v1 =	vld [tilespmem:s11+$0x10B00]  }
0x3d6: {  	v2 =	vld [tilespmem:s11+$0x10B10]  }
0x3d7: {  	v3 =	vld [tilespmem:s11+$0x10B20]  }
0x3d8: {  	v4 =	vld [tilespmem:s11+$0x10B30]  }
0x3d9: {  	v5 =	vld [tilespmem:s11+$0x10B40]  }
0x3da: {  	v6 =	vld [tilespmem:s11+$0x10B50]  }
0x3db: {  	[tilespmem:s11+$0x4B70] =	vst.add.f32.msk $0xffff, v0  }
0x3dc: {  	v0 =	vld [tilespmem:s11+$0x10B60]  }
0x3dd: {  	[tilespmem:s11+$0x4B00] =	vst.add.f32.msk $0xffff, v1  }
0x3de: {  	[tilespmem:s11+$0x4B10] =	vst.add.f32.msk $0xffff, v2  }
0x3df: {  	[tilespmem:s11+$0x4B20] =	vst.add.f32.msk $0xffff, v3  }
0x3e0: {  	[tilespmem:s11+$0x4B30] =	vst.add.f32.msk $0xffff, v4  }
0x3e1: {  	[tilespmem:s11+$0x4B40] =	vst.add.f32.msk $0xffff, v5  }
0x3e2: {  	s12 =	simm.s32 $0x0;
	s13 =	simm.s32 $0x1000;
	[tilespmem:s11+$0x4B50] =	vst.add.f32.msk $0xffff, v6  }
.LBB2_62:
0x3e3: {  	s12 =	sadd.s32 $0x80, s12;
	[tilespmem:s11+$0x4B60] =	vst.add.f32.msk $0xffff, v0;
	s11 =	sshra.s32 s13, $0x2  }
0x3e4: {  	v0 =	vld [tilespmem:s11+$0x10B70];
	p0 =	slt.u32 s12, $0x280  }
0x3e5: {  	v1 =	vld [tilespmem:s11+$0x10B00]  }
0x3e6: {  	v2 =	vld [tilespmem:s11+$0x10B10]  }
0x3e7: {  	v3 =	vld [tilespmem:s11+$0x10B20]  }
0x3e8: {  	v4 =	vld [tilespmem:s11+$0x10B30]  }
0x3e9: {  	[tilespmem:s11+$0x4B70] =	vst.add.f32.msk $0xffff, v0  }
0x3ea: {  	v5 =	vld [tilespmem:s11+$0x10B40]  }
0x3eb: {  	v6 =	vld [tilespmem:s11+$0x10B50]  }
0x3ec: {  	v0 =	vld [tilespmem:s11+$0x10B60]  }
0x3ed: {  	[tilespmem:s11+$0x4B00] =	vst.add.f32.msk $0xffff, v1  }
.Ltmp30:
0x3ee: {  	[tilespmem:s11+$0x4B10] =	vst.add.f32.msk $0xffff, v2;
	(pc) =	sbr.rel @p0 .LBB2_62-.Ltmp30, $4  }
0x3ef: {  	[tilespmem:s11+$0x4B20] =	vst.add.f32.msk $0xffff, v3  }
0x3f0: {  	[tilespmem:s11+$0x4B30] =	vst.add.f32.msk $0xffff, v4  }
0x3f1: {  	[tilespmem:s11+$0x4B40] =	vst.add.f32.msk $0xffff, v5  }
0x3f2: {  	s13 =	sadd.s32 $0x1000, s13;
	[tilespmem:s11+$0x4B50] =	vst.add.f32.msk $0xffff, v6  }
0x3f3: {  	[tilespmem:s11+$0x4B60] =	vst.add.f32.msk $0xffff, v0;
	s11 =	simm.s32 $0x0  }
0x3f4: {  	v0 =	vld [tilespmem:s11+$0x10BF0]  }
0x3f5: {  	v1 =	vld [tilespmem:s11+$0x10B80]  }
0x3f6: {  	v2 =	vld [tilespmem:s11+$0x10B90]  }
0x3f7: {  	v3 =	vld [tilespmem:s11+$0x10BA0]  }
0x3f8: {  	v4 =	vld [tilespmem:s11+$0x10BB0]  }
0x3f9: {  	v5 =	vld [tilespmem:s11+$0x10BC0]  }
0x3fa: {  	v6 =	vld [tilespmem:s11+$0x10BD0]  }
0x3fb: {  	[tilespmem:s11+$0x4BF0] =	vst.add.f32.msk $0xffff, v0  }
0x3fc: {  	v0 =	vld [tilespmem:s11+$0x10BE0]  }
0x3fd: {  	[tilespmem:s11+$0x4B80] =	vst.add.f32.msk $0xffff, v1  }
0x3fe: {  	[tilespmem:s11+$0x4B90] =	vst.add.f32.msk $0xffff, v2  }
0x3ff: {  	[tilespmem:s11+$0x4BA0] =	vst.add.f32.msk $0xffff, v3  }
0x400: {  	[tilespmem:s11+$0x4BB0] =	vst.add.f32.msk $0xffff, v4  }
0x401: {  	[tilespmem:s11+$0x4BC0] =	vst.add.f32.msk $0xffff, v5  }
0x402: {  	s12 =	simm.s32 $0x0;
	s13 =	simm.s32 $0x1000;
	[tilespmem:s11+$0x4BD0] =	vst.add.f32.msk $0xffff, v6  }
.LBB2_64:
0x403: {  	s12 =	sadd.s32 $0x80, s12;
	[tilespmem:s11+$0x4BE0] =	vst.add.f32.msk $0xffff, v0;
	s11 =	sshra.s32 s13, $0x2  }
0x404: {  	v0 =	vld [tilespmem:s11+$0x10BF0];
	p0 =	slt.u32 s12, $0x280  }
0x405: {  	v1 =	vld [tilespmem:s11+$0x10B80]  }
0x406: {  	v2 =	vld [tilespmem:s11+$0x10B90]  }
0x407: {  	v3 =	vld [tilespmem:s11+$0x10BA0]  }
0x408: {  	v4 =	vld [tilespmem:s11+$0x10BB0]  }
0x409: {  	[tilespmem:s11+$0x4BF0] =	vst.add.f32.msk $0xffff, v0  }
0x40a: {  	v5 =	vld [tilespmem:s11+$0x10BC0]  }
0x40b: {  	v6 =	vld [tilespmem:s11+$0x10BD0]  }
0x40c: {  	v0 =	vld [tilespmem:s11+$0x10BE0]  }
0x40d: {  	[tilespmem:s11+$0x4B80] =	vst.add.f32.msk $0xffff, v1  }
.Ltmp31:
0x40e: {  	[tilespmem:s11+$0x4B90] =	vst.add.f32.msk $0xffff, v2;
	(pc) =	sbr.rel @p0 .LBB2_64-.Ltmp31, $4  }
0x40f: {  	[tilespmem:s11+$0x4BA0] =	vst.add.f32.msk $0xffff, v3  }
0x410: {  	[tilespmem:s11+$0x4BB0] =	vst.add.f32.msk $0xffff, v4  }
0x411: {  	[tilespmem:s11+$0x4BC0] =	vst.add.f32.msk $0xffff, v5  }
0x412: {  	s13 =	sadd.s32 $0x1000, s13;
	[tilespmem:s11+$0x4BD0] =	vst.add.f32.msk $0xffff, v6  }
0x413: {  	s10 =	sadd.s32 $0x1, s10  }
0x414: {  	p0 =	sne.s32 s10, s6  }
.Ltmp32:
0x415: {  	[tilespmem:s11+$0x4BE0] =	vst.add.f32.msk $0xffff, v0;
	(pc) =	sbr.rel @p0 .LBB2_1-.Ltmp32, $4  }
0x416: {  	[hbm4b:s5+s2] =	stream.linear.scatter [tilespmem:s2], [sflag:$0x2], $0x6000, $0x38;
	[tilespmem:$0x18000] =	vst v63  }
0x417: {  	_ =	swait.ge [sflag:s9], $0x6000  }
0x418: {  	[sflag:s9] =	ssyncset.done $0x0  }
0x419: {  	[sflag:s9] =	ssyncadd.s32 $0xFFFFA000  }
0x41a: {  	_ =	sfence.sel $0x180000  }
0x41b: {  	[bflag:$0x0] =	sbarrier.arrive $0xFFFF  }
0x41c: {  	p0 =	sne.s32 s0, $0x0;
	_ =	strace $0x90000047  }
0x41d: {  	s0 =	sadd.s32 @!p0 $0x100000, s1;
	[bflag:$0x2] =	sbarrier.arrive $0xFFFF  }
0x41e: {  	[sflag:s0] =	ssyncadd.tile.s32 @!p0 $0x1;
	_ =	shalt  }
.Lfunc_end2:
_tile_overlayer_lowered:
.L_overlay_start_2:
0x41f: {  	(tag) =	ssettag $0x2  }
0x420: {  	s0 =	rddreg [dreg:$0x0];
	s2 =	stileid.u32  }
0x421: {  	s1 =	rddreg [dreg:$0x1];
	p0 =	sne.s32 s2, $0x0  }
0x422: {  	s3 =	rddreg [dreg:$0x2];
	[bflag:$0x3] =	sbarrier.arrive $0xFFFF;
	s2 =	simm.s32 @!p0 $0x1C03  }
0x423: {  	[timem:s3], [sflag:s2] =	dma.local @!p0 [hbm:s0], s1  }
0x424: {  	s0 =	simm.s32 @!p0 $0x3  }
0x425: {  	_ =	swait.ge @!p0 [sflag:s0], s1  }
0x426: {  	s1 =	ssub.s32 @!p0 $0x0, s1;
	[sflag:s0] =	ssyncset.done @!p0 $0x0  }
0x427: {  	[sflag:s0] =	ssyncadd.s32 @!p0 s1  }
0x428: {  	[bflag:$0x3] =	sbarrier.arrive $0xFFFF  }
0x429: {  	_ =	shalt  }

</sc_bundles>
